<compile_context>
chip_gen: v7x
topology: tpu7x:2x2x1
jax: 0.10.2.dev20260603
libtpu: 0.0.44.dev20260713+nightly
codegen_flags: <defaults>
</compile_context>

<pallas_src>
import functools

import jax
import jax.numpy as jnp
import numpy as np
from jax import lax
from jax.experimental import pallas as pl
from jax.experimental.pallas import tpu as pltpu
from jax.experimental.pallas import tpu_sc as plsc

_BN = np.float32(1.0 / np.sqrt(1.0 + 1e-5))
_N, _E, _IN, _H, _OUT = 10000, 160000, 64, 256, 2
_HH = _H // 2
_RB = 1000
_EB = 80
_NT = 16
_EPT = _E // _NT
_ZR = _N // _NT
_SIGMA = np.float32(np.deg2rad(10.0) / np.sqrt(3.0))


def _relu_bn(v, b):
    return jnp.maximum((v + b[...]) * _BN, 0.0)


def _mm(a, w):
    return jnp.dot(a, w, preferred_element_type=jnp.float32)



def _k1_body(x_ref, wi0, bi0, wi1, bi1, wa, ba, ws, bs, m_ref, s_ref):
    h = _relu_bn(_mm(x_ref[...], wi0[...]), bi0)
    h = _relu_bn(_mm(h, wi1[...]), bi1)
    m = _relu_bn(_mm(h, wa[...]), ba)
    s_ref[...] = _relu_bn(_mm(h, ws[...]), bs)
    m_ref[0] = m[:, :_HH]
    m_ref[1] = m[:, _HH:]


def _k2_body(s_ref, agg_ref, wc, bc, wa, ba, ws, bs, m_ref, s_out_ref):
    acc = _mm(s_ref[...], wc[:_H, :])
    acc += _mm(agg_ref[0], wc[_H:_H + _HH, :])
    acc += _mm(agg_ref[1], wc[_H + _HH:, :])
    h = _relu_bn(acc, bc)
    m = _relu_bn(_mm(h, wa[...]), ba)
    s_out_ref[...] = _relu_bn(_mm(h, ws[...]), bs)
    m_ref[0] = m[:, :_HH]
    m_ref[1] = m[:, _HH:]


def _k3_body(s_ref, agg_ref, wc, bc, wr, br, out_ref):
    acc = _mm(s_ref[...], wc[:_H, :])
    acc += _mm(agg_ref[0], wc[_H:_H + _HH, :])
    acc += _mm(agg_ref[1], wc[_H + _HH:, :])
    h = _relu_bn(acc, bc)
    f = _mm(h, wr[...]) + br[...]
    out_ref[...] = jax.nn.sigmoid(f) * (6.0 * _SIGMA) - 3.0 * _SIGMA


def _rowspec(shape):
    nd = len(shape)
    return pl.BlockSpec(shape, lambda i: (0,) * nd)


_GRID = (_N // _RB,)
_W_HH = _rowspec((_IN, _H))
_W_HHH = _rowspec((_H, _H))
_W_C = _rowspec((2 * _H, _H))
_B_H = _rowspec((1, _H))
_S_SPEC = pl.BlockSpec((_RB, _H), lambda i: (i, 0))
_M_SPEC = pl.BlockSpec((2, _RB, _HH), lambda i: (0, i, 0))

_k1 = pl.pallas_call(
    _k1_body,
    grid=_GRID,
    in_specs=[pl.BlockSpec((_RB, _IN), lambda i: (i, 0)),
              _W_HH, _B_H, _W_HHH, _B_H, _W_HHH, _B_H, _W_HHH, _B_H],
    out_specs=[_M_SPEC, _S_SPEC],
    out_shape=[jax.ShapeDtypeStruct((2, _N, _HH), jnp.float32),
               jax.ShapeDtypeStruct((_N, _H), jnp.float32)],
)

_k2 = pl.pallas_call(
    _k2_body,
    grid=_GRID,
    in_specs=[_S_SPEC, _M_SPEC, _W_C, _B_H, _W_HHH, _B_H, _W_HHH, _B_H],
    out_specs=[_M_SPEC, _S_SPEC],
    out_shape=[jax.ShapeDtypeStruct((2, _N, _HH), jnp.float32),
               jax.ShapeDtypeStruct((_N, _H), jnp.float32)],
)

_k3 = pl.pallas_call(
    _k3_body,
    grid=_GRID,
    in_specs=[_S_SPEC, _M_SPEC, _W_C, _B_H,
              _rowspec((_H, _OUT)), _rowspec((1, _OUT))],
    out_specs=pl.BlockSpec((_RB, _OUT), lambda i: (i, 0)),
    out_shape=jax.ShapeDtypeStruct((_N, _OUT), jnp.float32),
)



_NB = 2
_NEC = _EPT // _EB


def _seg_body(m_hbm, src_hbm, dst_hbm, out_hbm, acc, sva, dva,
              rows0, rows1, gsem0, gsem1, ssem0, ssem1):
    c = lax.axis_index("c")
    s = lax.axis_index("s")
    rows_l = [rows0, rows1]
    gsems_l = [gsem0, gsem1]
    ssems_l = [ssem0, ssem1]

    pltpu.sync_copy(src_hbm.at[c, s], sva)
    pltpu.sync_copy(dst_hbm.at[s], dva)

    def _zb(i, carry):
        for j in range(8):
            rows0[i, pl.ds(j * 16, 16)] = jnp.zeros((16,), jnp.float32)
        return carry
    lax.fori_loop(0, _EB, _zb, 0)

    nch = _N // _EB
    nit = (nch + _NT - 1) // _NT

    def _zc(i, carry):
        ch = i * _NT + s

        @pl.when(ch < nch)
        def _():
            pltpu.async_copy(rows0, acc.at[pl.ds(ch * _EB, _EB)], gsem0)
        return carry
    lax.fori_loop(0, nit, _zc, 0)

    def _zd(i, carry):
        ch = i * _NT + s

        @pl.when(ch < nch)
        def _():
            pltpu.make_async_copy(rows0, acc.at[pl.ds(ch * _EB, _EB)],
                                  gsem0).wait()
        return carry
    lax.fori_loop(0, nit, _zd, 0)
    plsc.subcore_barrier()

    def _gat(k, rb, gsem):
        return pltpu.make_async_copy(
            m_hbm.at[sva.at[pl.ds(k * _EB, _EB)]], rb, gsem)

    def _visit(k, j, jo):
        @pl.when((k >= 2) & (k <= _NEC + 1))
        def _():
            pltpu.make_async_copy(rows_l[j], acc.at[dva.at[k - 2]],
                                  ssems_l[j]).wait()

        @pl.when(k < _NEC)
        def _():
            _gat(k, rows_l[j], gsems_l[j]).start()

        @pl.when((k >= 1) & (k <= _NEC))
        def _():
            _gat(k - 1, rows_l[jo], gsems_l[jo]).wait()
            pltpu.async_copy(rows_l[jo], acc.at[dva.at[k - 1]],
                             ssems_l[jo], add=True)

    def _eb(i, carry):
        _visit(2 * i, 0, 1)
        _visit(2 * i + 1, 1, 0)
        return carry
    lax.fori_loop(0, (_NEC + 3) // 2 + 1, _eb, 0)
    plsc.subcore_barrier()

    def _wc(i, carry):
        ch = i * _NT + s

        @pl.when(ch < nch)
        def _():
            pltpu.async_copy(acc.at[pl.ds(ch * _EB, _EB)],
                             out_hbm.at[pl.ds(c * _N + ch * _EB, _EB)],
                             gsem0)
        return carry
    lax.fori_loop(0, nit, _wc, 0)

    def _wd(i, carry):
        ch = i * _NT + s

        @pl.when(ch < nch)
        def _():
            pltpu.make_async_copy(
                acc.at[pl.ds(ch * _EB, _EB)],
                out_hbm.at[pl.ds(c * _N + ch * _EB, _EB)], gsem0).wait()
        return carry
    lax.fori_loop(0, nit, _wd, 0)


@functools.cache
def _make_seg_sum():
    return pl.kernel(
        _seg_body,
        out_type=jax.ShapeDtypeStruct((2 * _N, _HH), jnp.float32),
        mesh=plsc.VectorSubcoreMesh(core_axis_name="c", subcore_axis_name="s",
                                    num_cores=2, num_subcores=_NT),
        scratch_types=[
            pltpu.VMEM_SHARED((_N, _HH), jnp.float32),
            pltpu.VMEM((_EPT,), jnp.int32),
            pltpu.VMEM((_NEC, _EB), jnp.int32),
            pltpu.VMEM((_EB, _HH), jnp.float32),
            pltpu.VMEM((_EB, _HH), jnp.float32),
            pltpu.SemaphoreType.DMA,
            pltpu.SemaphoreType.DMA,
            pltpu.SemaphoreType.DMA,
            pltpu.SemaphoreType.DMA,
        ],
    )


def _seg_sum(m2, src2, dst):
    return _make_seg_sum()(m2, src2, dst)


def kernel(x, edge_index, batch_size, Wi0, bi0, Wi1, bi1, Wa, ba, Ws, bs,
           Wc, bc, Wr, br):
    src = edge_index[0].astype(jnp.int32)
    dst = edge_index[1].astype(jnp.int32)
    src2 = jnp.stack([src, src + jnp.int32(_N)]).reshape(2, _NT, _EPT)
    dst2 = dst.reshape(_NT, _NEC, _EB)

    bi0r = bi0.reshape(1, _H)
    bi1r = bi1.reshape(1, _H)
    bar = ba.reshape(2, 1, _H)
    bsr = bs.reshape(2, 1, _H)
    bcr = bc.reshape(2, 1, _H)
    brr = br.reshape(1, _OUT)

    m, s = _k1(x, Wi0, bi0r, Wi1, bi1r, Wa[0], bar[0], Ws[0], bsr[0])
    agg = _seg_sum(m.reshape(2 * _N, _HH), src2, dst2).reshape(2, _N, _HH)
    m, s = _k2(s, agg, Wc[0], bcr[0], Wa[1], bar[1], Ws[1], bsr[1])
    agg = _seg_sum(m.reshape(2 * _N, _HH), src2, dst2).reshape(2, _N, _HH)
    out = _k3(s, agg, Wc[1], bcr[1], Wr, brr)
    return out.reshape(100, _N // 100, _OUT)

# --- scband reference (transcript-rebuilt; emitter-appended) ---
"""Pipeline reference for scband-graph-neural-network-46660524704514 (READ-ONLY COPY).

The authoritative reference and input builder live on the scoring server;
editing this copy changes nothing except your own understanding.
"""

import jax, jax.numpy as jnp
import numpy as np

BN_SCALE = 1.0 / np.sqrt(1.0 + 1e-5)
N, E, IN, H, OUT, L = 10000, 160000, 64, 256, 2, 2

def setup_inputs(seed: int = 0):
    key = jax.random.key(seed)
    ks = jax.random.split(key, 20)
    inp = {}
    inp["x"] = jax.random.normal(ks[0], (N, IN), dtype=jnp.float32)
    inp["edge_index"] = jax.random.randint(ks[1], (2, E), 0, N)
    inp["batch_size"] = 100
    inp["Wi0"] = jax.random.normal(ks[2], (IN, H), dtype=jnp.float32) / np.sqrt(IN)
    inp["bi0"] = jnp.zeros((H,), dtype=jnp.float32)
    inp["Wi1"] = jax.random.normal(ks[3], (H, H), dtype=jnp.float32) / np.sqrt(H)
    inp["bi1"] = jnp.zeros((H,), dtype=jnp.float32)
    inp["Wa"] = jax.random.normal(ks[4], (L, H, H), dtype=jnp.float32) / np.sqrt(H)
    inp["ba"] = jnp.zeros((L, H), dtype=jnp.float32)
    inp["Ws"] = jax.random.normal(ks[5], (L, H, H), dtype=jnp.float32) / np.sqrt(H)
    inp["bs"] = jnp.zeros((L, H), dtype=jnp.float32)
    inp["Wc"] = jax.random.normal(ks[6], (L, 2 * H, H), dtype=jnp.float32) / np.sqrt(2 * H)
    inp["bc"] = jnp.zeros((L, H), dtype=jnp.float32)
    inp["Wr"] = jax.random.normal(ks[7], (H, OUT), dtype=jnp.float32) / np.sqrt(H)
    inp["br"] = jnp.zeros((OUT,), dtype=jnp.float32)
    return inp

def reference(x, edge_index, batch_size, Wi0, bi0, Wi1, bi1, Wa, ba, Ws, bs, Wc, bc, Wr, br):
    src = edge_index[0]
    dst = edge_index[1]
    n = x.shape[0]
    # InitLayer: Linear+BN(eval)+ReLU x2
    h = jax.nn.relu((x @ Wi0 + bi0) * BN_SCALE)
    h = jax.nn.relu((h @ Wi1 + bi1) * BN_SCALE)
    # GraphConv layers with sum aggregation
    for l in range(L):
        m = jax.nn.relu((h @ Wa[l] + ba[l]) * BN_SCALE)  # mlp_aggr on src feats
        agg = jax.ops.segment_sum(jnp.take(m, src, axis=0), dst, num_segments=n)
        s = jax.nn.relu((h @ Ws[l] + bs[l]) * BN_SCALE)  # mlp_self
        h = jax.nn.relu((jnp.concatenate([s, agg], axis=1) @ Wc[l] + bc[l]) * BN_SCALE)  # mlp_comb
    # ReadoutFunction
    sigma = np.deg2rad(10.0) / np.sqrt(3.0)
    bs_static = 100
    num_r = n // bs_static
    f = (h @ Wr + br).reshape(bs_static, num_r, -1)
    f = f + jnp.zeros((), f.dtype) * batch_size
    out = jax.nn.sigmoid(f) * 2.0 * 3.0 * sigma - 3.0 * sigma
    return out

if __name__ == "__main__":
    import jax
    _d = setup_inputs()
    print(jax.jit(kernel)(*tuple(_d.values())))

</pallas_src>

<mosaic_0001>
#map = affine_map<(d0, d1) -> (0, 0)>
#map1 = affine_map<(d0, d1) -> (0, 0, 0)>
module attributes {stable_mosaic.version = 14 : i64} {
  func.func @_seg_body(%arg0: i32, %arg1: i32, %arg2: memref<20000x128xf32, #tpu.memory_space<hbm>>, %arg3: memref<2x16x10000xi32, #tpu.memory_space<hbm>>, %arg4: memref<16x125x80xi32, #tpu.memory_space<hbm>>, %arg5: memref<20000x128xf32, #tpu.memory_space<hbm>>, %arg6: memref<10000x128xf32, #tpu.memory_space<vmem_shared>>, %arg7: memref<10000xi32, #tpu.memory_space<vmem>>, %arg8: memref<125x80xi32, #tpu.memory_space<vmem>>, %arg9: memref<80x128xf32, #tpu.memory_space<vmem>>, %arg10: memref<80x128xf32, #tpu.memory_space<vmem>>, %arg11: memref<!tpu.dma_semaphore, #tpu.memory_space<semaphore_mem>>, %arg12: memref<!tpu.dma_semaphore, #tpu.memory_space<semaphore_mem>>, %arg13: memref<!tpu.dma_semaphore, #tpu.memory_space<semaphore_mem>>, %arg14: memref<!tpu.dma_semaphore, #tpu.memory_space<semaphore_mem>>) attributes {dimension_semantics = [#tpu.dimension_semantics<core_parallel>, #tpu.dimension_semantics<subcore_parallel>], iteration_bounds = array<i64: 2, 16>, scalar_prefetch = 0 : i64, scratch_operands = 9 : i64, tpu.core_type = #tpu.core_type<sc_vector_subcore>, window_params = [{transform_indices = #map}, {transform_indices = #map1}, {transform_indices = #map1}, {transform_indices = #map}]} {
    "tpu.region"() ({
      %run_scoped3A = tpu.sem_alloc : memref<!tpu.dma_semaphore, #tpu.memory_space<semaphore_mem>>
      %dma_start3A = arith.constant 0 : i32
      %dma_start3A_36 = tpu.memref_slice %arg3[%arg0, %arg1, %dma_start3A] : memref<2x16x10000xi32, #tpu.memory_space<hbm>> -> memref<1x1x10000xi32, #tpu.memory_space<hbm>>
      %dma_start3A_37 = tpu.memref_squeeze %dma_start3A_36 : memref<1x1x10000xi32, #tpu.memory_space<hbm>> -> memref<10000xi32, #tpu.memory_space<hbm>>
      %dma_start3A_38 = arith.constant 0 : i32
      %dma_start3A_39 = tpu.memref_slice %arg3[%arg0, %arg1, %dma_start3A_38] : memref<2x16x10000xi32, #tpu.memory_space<hbm>> -> memref<1x1x10000xi32, #tpu.memory_space<hbm>>
      %dma_start3A_40 = tpu.memref_squeeze %dma_start3A_39 : memref<1x1x10000xi32, #tpu.memory_space<hbm>> -> memref<10000xi32, #tpu.memory_space<hbm>>
      tpu.enqueue_dma source(%dma_start3A_40 : memref<10000xi32, #tpu.memory_space<hbm>>) target(%arg7 : memref<10000xi32, #tpu.memory_space<vmem>>) target_semaphore(%run_scoped3A : memref<!tpu.dma_semaphore, #tpu.memory_space<semaphore_mem>>)
      %dma_wait3A = arith.constant 0 : i32
      %dma_wait3A_41 = tpu.memref_slice %arg3[%arg0, %arg1, %dma_wait3A] : memref<2x16x10000xi32, #tpu.memory_space<hbm>> -> memref<1x1x10000xi32, #tpu.memory_space<hbm>>
      %dma_wait3A_42 = tpu.memref_squeeze %dma_wait3A_41 : memref<1x1x10000xi32, #tpu.memory_space<hbm>> -> memref<10000xi32, #tpu.memory_space<hbm>>
      %dma_wait3A_43 = arith.constant 0 : i32
      %dma_wait3A_44 = tpu.memref_slice %arg3[%arg0, %arg1, %dma_wait3A_43] : memref<2x16x10000xi32, #tpu.memory_space<hbm>> -> memref<1x1x10000xi32, #tpu.memory_space<hbm>>
      %dma_wait3A_45 = tpu.memref_squeeze %dma_wait3A_44 : memref<1x1x10000xi32, #tpu.memory_space<hbm>> -> memref<10000xi32, #tpu.memory_space<hbm>>
      tpu.wait_dma2 semaphore(%run_scoped3A : memref<!tpu.dma_semaphore, #tpu.memory_space<semaphore_mem>>) src(%dma_wait3A_45 : memref<10000xi32, #tpu.memory_space<hbm>>) dst(%arg7 : memref<10000xi32, #tpu.memory_space<vmem>>)
      tpu.yield
    }) : () -> ()
    "tpu.region"() ({
      %run_scoped3A = tpu.sem_alloc : memref<!tpu.dma_semaphore, #tpu.memory_space<semaphore_mem>>
      %dma_start3A = arith.constant 0 : i32
      %dma_start3A_36 = arith.constant 0 : i32
      %dma_start3A_37 = tpu.memref_slice %arg4[%arg1, %dma_start3A, %dma_start3A_36] : memref<16x125x80xi32, #tpu.memory_space<hbm>> -> memref<1x125x80xi32, #tpu.memory_space<hbm>>
      %dma_start3A_38 = tpu.memref_squeeze %dma_start3A_37 : memref<1x125x80xi32, #tpu.memory_space<hbm>> -> memref<125x80xi32, #tpu.memory_space<hbm>>
      %dma_start3A_39 = arith.constant 0 : i32
      %dma_start3A_40 = arith.constant 0 : i32
      %dma_start3A_41 = tpu.memref_slice %arg4[%arg1, %dma_start3A_39, %dma_start3A_40] : memref<16x125x80xi32, #tpu.memory_space<hbm>> -> memref<1x125x80xi32, #tpu.memory_space<hbm>>
      %dma_start3A_42 = tpu.memref_squeeze %dma_start3A_41 : memref<1x125x80xi32, #tpu.memory_space<hbm>> -> memref<125x80xi32, #tpu.memory_space<hbm>>
      tpu.enqueue_dma source(%dma_start3A_42 : memref<125x80xi32, #tpu.memory_space<hbm>>) target(%arg8 : memref<125x80xi32, #tpu.memory_space<vmem>>) target_semaphore(%run_scoped3A : memref<!tpu.dma_semaphore, #tpu.memory_space<semaphore_mem>>)
      %dma_wait3A = arith.constant 0 : i32
      %dma_wait3A_43 = arith.constant 0 : i32
      %dma_wait3A_44 = tpu.memref_slice %arg4[%arg1, %dma_wait3A, %dma_wait3A_43] : memref<16x125x80xi32, #tpu.memory_space<hbm>> -> memref<1x125x80xi32, #tpu.memory_space<hbm>>
      %dma_wait3A_45 = tpu.memref_squeeze %dma_wait3A_44 : memref<1x125x80xi32, #tpu.memory_space<hbm>> -> memref<125x80xi32, #tpu.memory_space<hbm>>
      %dma_wait3A_46 = arith.constant 0 : i32
      %dma_wait3A_47 = arith.constant 0 : i32
      %dma_wait3A_48 = tpu.memref_slice %arg4[%arg1, %dma_wait3A_46, %dma_wait3A_47] : memref<16x125x80xi32, #tpu.memory_space<hbm>> -> memref<1x125x80xi32, #tpu.memory_space<hbm>>
      %dma_wait3A_49 = tpu.memref_squeeze %dma_wait3A_48 : memref<1x125x80xi32, #tpu.memory_space<hbm>> -> memref<125x80xi32, #tpu.memory_space<hbm>>
      tpu.wait_dma2 semaphore(%run_scoped3A : memref<!tpu.dma_semaphore, #tpu.memory_space<semaphore_mem>>) src(%dma_wait3A_49 : memref<125x80xi32, #tpu.memory_space<hbm>>) dst(%arg8 : memref<125x80xi32, #tpu.memory_space<vmem>>)
      tpu.yield
    }) : () -> ()
    %scan3A = arith.constant 0 : i32
    %scan3A_0 = arith.constant 0 : i32
    %scan3A_1 = arith.constant 80 : i32
    %scan3A_2 = arith.addi %scan3A_0, %scan3A_1 : i32
    %scan3A_3 = arith.constant 1 : i32
    scf.for %scan3A_36 = %scan3A_0 to %scan3A_2 step %scan3A_3  : i32 {
      %broadcast_in_dim3A = arith.constant 0.000000e+00 : f32
      %broadcast_in_dim3A_37 = vector.broadcast %broadcast_in_dim3A : f32 to vector<16xf32>
      %swap3A = arith.index_cast %scan3A_36 : i32 to index
      %swap3A_38 = arith.constant 0 : index
      %swap3A_39 = tpu.vector_load %arg9[%swap3A, %swap3A_38] {strides = array<i32>} : memref<80x128xf32, #tpu.memory_space<vmem>>, vector<1x16xf32>,
      %swap3A_40 = vector.shape_cast %swap3A_39 : vector<1x16xf32> to vector<16xf32>
      %swap3A_41 = vector.shape_cast %broadcast_in_dim3A_37 : vector<16xf32> to vector<1x16xf32>
      tpu.vector_store %arg9[%swap3A, %swap3A_38], %swap3A_41 {strides = array<i32>} : memref<80x128xf32, #tpu.memory_space<vmem>>, vector<1x16xf32>,
      %broadcast_in_dim3A_42 = arith.constant 0.000000e+00 : f32
      %broadcast_in_dim3A_43 = vector.broadcast %broadcast_in_dim3A_42 : f32 to vector<16xf32>
      %swap3A_44 = arith.index_cast %scan3A_36 : i32 to index
      %swap3A_45 = arith.constant 16 : index
      %swap3A_46 = tpu.vector_load %arg9[%swap3A_44, %swap3A_45] {strides = array<i32>} : memref<80x128xf32, #tpu.memory_space<vmem>>, vector<1x16xf32>,
      %swap3A_47 = vector.shape_cast %swap3A_46 : vector<1x16xf32> to vector<16xf32>
      %swap3A_48 = vector.shape_cast %broadcast_in_dim3A_43 : vector<16xf32> to vector<1x16xf32>
      tpu.vector_store %arg9[%swap3A_44, %swap3A_45], %swap3A_48 {strides = array<i32>} : memref<80x128xf32, #tpu.memory_space<vmem>>, vector<1x16xf32>,
      %broadcast_in_dim3A_49 = arith.constant 0.000000e+00 : f32
      %broadcast_in_dim3A_50 = vector.broadcast %broadcast_in_dim3A_49 : f32 to vector<16xf32>
      %swap3A_51 = arith.index_cast %scan3A_36 : i32 to index
      %swap3A_52 = arith.constant 32 : index
      %swap3A_53 = tpu.vector_load %arg9[%swap3A_51, %swap3A_52] {strides = array<i32>} : memref<80x128xf32, #tpu.memory_space<vmem>>, vector<1x16xf32>,
      %swap3A_54 = vector.shape_cast %swap3A_53 : vector<1x16xf32> to vector<16xf32>
      %swap3A_55 = vector.shape_cast %broadcast_in_dim3A_50 : vector<16xf32> to vector<1x16xf32>
      tpu.vector_store %arg9[%swap3A_51, %swap3A_52], %swap3A_55 {strides = array<i32>} : memref<80x128xf32, #tpu.memory_space<vmem>>, vector<1x16xf32>,
      %broadcast_in_dim3A_56 = arith.constant 0.000000e+00 : f32
      %broadcast_in_dim3A_57 = vector.broadcast %broadcast_in_dim3A_56 : f32 to vector<16xf32>
      %swap3A_58 = arith.index_cast %scan3A_36 : i32 to index
      %swap3A_59 = arith.constant 48 : index
      %swap3A_60 = tpu.vector_load %arg9[%swap3A_58, %swap3A_59] {strides = array<i32>} : memref<80x128xf32, #tpu.memory_space<vmem>>, vector<1x16xf32>,
      %swap3A_61 = vector.shape_cast %swap3A_60 : vector<1x16xf32> to vector<16xf32>
      %swap3A_62 = vector.shape_cast %broadcast_in_dim3A_57 : vector<16xf32> to vector<1x16xf32>
      tpu.vector_store %arg9[%swap3A_58, %swap3A_59], %swap3A_62 {strides = array<i32>} : memref<80x128xf32, #tpu.memory_space<vmem>>, vector<1x16xf32>,
      %broadcast_in_dim3A_63 = arith.constant 0.000000e+00 : f32
      %broadcast_in_dim3A_64 = vector.broadcast %broadcast_in_dim3A_63 : f32 to vector<16xf32>
      %swap3A_65 = arith.index_cast %scan3A_36 : i32 to index
      %swap3A_66 = arith.constant 64 : index
      %swap3A_67 = tpu.vector_load %arg9[%swap3A_65, %swap3A_66] {strides = array<i32>} : memref<80x128xf32, #tpu.memory_space<vmem>>, vector<1x16xf32>,
      %swap3A_68 = vector.shape_cast %swap3A_67 : vector<1x16xf32> to vector<16xf32>
      %swap3A_69 = vector.shape_cast %broadcast_in_dim3A_64 : vector<16xf32> to vector<1x16xf32>
      tpu.vector_store %arg9[%swap3A_65, %swap3A_66], %swap3A_69 {strides = array<i32>} : memref<80x128xf32, #tpu.memory_space<vmem>>, vector<1x16xf32>,
      %broadcast_in_dim3A_70 = arith.constant 0.000000e+00 : f32
      %broadcast_in_dim3A_71 = vector.broadcast %broadcast_in_dim3A_70 : f32 to vector<16xf32>
      %swap3A_72 = arith.index_cast %scan3A_36 : i32 to index
      %swap3A_73 = arith.constant 80 : index
      %swap3A_74 = tpu.vector_load %arg9[%swap3A_72, %swap3A_73] {strides = array<i32>} : memref<80x128xf32, #tpu.memory_space<vmem>>, vector<1x16xf32>,
      %swap3A_75 = vector.shape_cast %swap3A_74 : vector<1x16xf32> to vector<16xf32>
      %swap3A_76 = vector.shape_cast %broadcast_in_dim3A_71 : vector<16xf32> to vector<1x16xf32>
      tpu.vector_store %arg9[%swap3A_72, %swap3A_73], %swap3A_76 {strides = array<i32>} : memref<80x128xf32, #tpu.memory_space<vmem>>, vector<1x16xf32>,
      %broadcast_in_dim3A_77 = arith.constant 0.000000e+00 : f32
      %broadcast_in_dim3A_78 = vector.broadcast %broadcast_in_dim3A_77 : f32 to vector<16xf32>
      %swap3A_79 = arith.index_cast %scan3A_36 : i32 to index
      %swap3A_80 = arith.constant 96 : index
      %swap3A_81 = tpu.vector_load %arg9[%swap3A_79, %swap3A_80] {strides = array<i32>} : memref<80x128xf32, #tpu.memory_space<vmem>>, vector<1x16xf32>,
      %swap3A_82 = vector.shape_cast %swap3A_81 : vector<1x16xf32> to vector<16xf32>
      %swap3A_83 = vector.shape_cast %broadcast_in_dim3A_78 : vector<16xf32> to vector<1x16xf32>
      tpu.vector_store %arg9[%swap3A_79, %swap3A_80], %swap3A_83 {strides = array<i32>} : memref<80x128xf32, #tpu.memory_space<vmem>>, vector<1x16xf32>,
      %broadcast_in_dim3A_84 = arith.constant 0.000000e+00 : f32
      %broadcast_in_dim3A_85 = vector.broadcast %broadcast_in_dim3A_84 : f32 to vector<16xf32>
      %swap3A_86 = arith.index_cast %scan3A_36 : i32 to index
      %swap3A_87 = arith.constant 112 : index
      %swap3A_88 = tpu.vector_load %arg9[%swap3A_86, %swap3A_87] {strides = array<i32>} : memref<80x128xf32, #tpu.memory_space<vmem>>, vector<1x16xf32>,
      %swap3A_89 = vector.shape_cast %swap3A_88 : vector<1x16xf32> to vector<16xf32>
      %swap3A_90 = vector.shape_cast %broadcast_in_dim3A_85 : vector<16xf32> to vector<1x16xf32>
      tpu.vector_store %arg9[%swap3A_86, %swap3A_87], %swap3A_90 {strides = array<i32>} : memref<80x128xf32, #tpu.memory_space<vmem>>, vector<1x16xf32>,
    }
    %scan3A_4 = arith.constant 80 : i32
    %scan3A_5 = arith.constant 0 : i32
    %scan3A_6 = arith.constant 0 : i32
    %scan3A_7 = arith.constant 8 : i32
    %scan3A_8 = arith.addi %scan3A_6, %scan3A_7 : i32
    %scan3A_9 = arith.constant 1 : i32
    scf.for %scan3A_36 = %scan3A_6 to %scan3A_8 step %scan3A_9  : i32 {
      %mul3A = arith.constant 16 : i32
      %mul3A_37 = arith.muli %scan3A_36, %mul3A : i32
      %add3A = arith.addi %mul3A_37, %arg1 : i32
      %lt3A = arith.constant 125 : i32
      %lt3A_38 = arith.cmpi slt, %add3A, %lt3A : i32
      %convert_element_type3A = arith.extui %lt3A_38 : i1 to i32
      %cond3A = arith.constant 0 : i32
      %cond3A_39 = arith.cmpi ne, %convert_element_type3A, %cond3A : i32
      scf.if %cond3A_39 {
        %mul3A_40 = arith.constant 80 : i32
        %mul3A_41 = arith.muli %add3A, %mul3A_40 : i32
        %dma_start3A = arith.constant 0 : i32
        %dma_start3A_42 = tpu.memref_slice %arg6[%mul3A_41, %dma_start3A] : memref<10000x128xf32, #tpu.memory_space<vmem_shared>> -> memref<80x128xf32, #tpu.memory_space<vmem_shared>>
        %dma_start3A_43 = arith.constant 0 : i32
        %dma_start3A_44 = tpu.memref_slice %arg6[%mul3A_41, %dma_start3A_43] : memref<10000x128xf32, #tpu.memory_space<vmem_shared>> -> memref<80x128xf32, #tpu.memory_space<vmem_shared>>
        tpu.enqueue_dma source(%arg9 : memref<80x128xf32, #tpu.memory_space<vmem>>) target(%dma_start3A_44 : memref<80x128xf32, #tpu.memory_space<vmem_shared>>) target_semaphore(%arg11 : memref<!tpu.dma_semaphore, #tpu.memory_space<semaphore_mem>>)
      } else {
      }
    }
    %scan3A_10 = arith.constant 8 : i32
    %scan3A_11 = arith.constant 0 : i32
    %scan3A_12 = arith.constant 0 : i32
    %scan3A_13 = arith.constant 8 : i32
    %scan3A_14 = arith.addi %scan3A_12, %scan3A_13 : i32
    %scan3A_15 = arith.constant 1 : i32
    scf.for %scan3A_36 = %scan3A_12 to %scan3A_14 step %scan3A_15  : i32 {
      %mul3A = arith.constant 16 : i32
      %mul3A_37 = arith.muli %scan3A_36, %mul3A : i32
      %add3A = arith.addi %mul3A_37, %arg1 : i32
      %lt3A = arith.constant 125 : i32
      %lt3A_38 = arith.cmpi slt, %add3A, %lt3A : i32
      %convert_element_type3A = arith.extui %lt3A_38 : i1 to i32
      %cond3A = arith.constant 0 : i32
      %cond3A_39 = arith.cmpi ne, %convert_element_type3A, %cond3A : i32
      scf.if %cond3A_39 {
        %mul3A_40 = arith.constant 80 : i32
        %mul3A_41 = arith.muli %add3A, %mul3A_40 : i32
        %dma_wait3A = arith.constant 0 : i32
        %dma_wait3A_42 = tpu.memref_slice %arg6[%mul3A_41, %dma_wait3A] : memref<10000x128xf32, #tpu.memory_space<vmem_shared>> -> memref<80x128xf32, #tpu.memory_space<vmem_shared>>
        %dma_wait3A_43 = arith.constant 0 : i32
        %dma_wait3A_44 = tpu.memref_slice %arg6[%mul3A_41, %dma_wait3A_43] : memref<10000x128xf32, #tpu.memory_space<vmem_shared>> -> memref<80x128xf32, #tpu.memory_space<vmem_shared>>
        tpu.wait_dma2 semaphore(%arg11 : memref<!tpu.dma_semaphore, #tpu.memory_space<semaphore_mem>>) src(%arg9 : memref<80x128xf32, #tpu.memory_space<vmem>>) dst(%dma_wait3A_44 : memref<80x128xf32, #tpu.memory_space<vmem_shared>>)
      } else {
      }
    }
    %scan3A_16 = arith.constant 8 : i32
    %barrier3A = arith.constant 0 : index
    tpu.barrier barrier_id(%barrier3A)
    %scan3A_17 = arith.constant 0 : i32
    %scan3A_18 = arith.constant 0 : i32
    %scan3A_19 = arith.constant 65 : i32
    %scan3A_20 = arith.addi %scan3A_18, %scan3A_19 : i32
    %scan3A_21 = arith.constant 1 : i32
    scf.for %scan3A_36 = %scan3A_18 to %scan3A_20 step %scan3A_21  : i32 {
      %mul3A = arith.constant 2 : i32
      %mul3A_37 = arith.muli %mul3A, %scan3A_36 : i32
      %ge3A = arith.constant 2 : i32
      %ge3A_38 = arith.cmpi sge, %mul3A_37, %ge3A : i32
      %le3A = arith.constant 126 : i32
      %le3A_39 = arith.cmpi sle, %mul3A_37, %le3A : i32
      %and3A = arith.andi %ge3A_38, %le3A_39 : i1
      %convert_element_type3A = arith.extui %and3A : i1 to i32
      %cond3A = arith.constant 0 : i32
      %cond3A_40 = arith.cmpi ne, %convert_element_type3A, %cond3A : i32
      scf.if %cond3A_40 {
        %sub3A = arith.constant 2 : i32
        %sub3A_77 = arith.subi %mul3A_37, %sub3A : i32
        %dma_wait3A = arith.constant 0 : i32
        %dma_wait3A_78 = tpu.memref_slice %arg8[%sub3A_77, %dma_wait3A] : memref<125x80xi32, #tpu.memory_space<vmem>> -> memref<1x80xi32, #tpu.memory_space<vmem>>
        %dma_wait3A_79 = tpu.memref_squeeze %dma_wait3A_78 : memref<1x80xi32, #tpu.memory_space<vmem>> -> memref<80xi32, #tpu.memory_space<vmem>>
        %dma_wait3A_80 = arith.constant 0 : i32
        %dma_wait3A_81 = arith.constant 0 : i32
        %dma_wait3A_82 = tpu.memref_slice %arg6[%dma_wait3A_80, %dma_wait3A_81] : memref<10000x128xf32, #tpu.memory_space<vmem_shared>> -> memref<10000x128xf32, #tpu.memory_space<vmem_shared>>
        tpu.wait_indirect_dma semaphore(%arg13 : memref<!tpu.dma_semaphore, #tpu.memory_space<semaphore_mem>>) src(%arg9 : memref<80x128xf32, #tpu.memory_space<vmem>>) dst(%dma_wait3A_82 : memref<10000x128xf32, #tpu.memory_space<vmem_shared>>)
      } else {
      }
      %lt3A = arith.constant 125 : i32
      %lt3A_41 = arith.cmpi slt, %mul3A_37, %lt3A : i32
      %convert_element_type3A_42 = arith.extui %lt3A_41 : i1 to i32
      %cond3A_43 = arith.constant 0 : i32
      %cond3A_44 = arith.cmpi ne, %convert_element_type3A_42, %cond3A_43 : i32
      scf.if %cond3A_44 {
        %mul3A_77 = arith.constant 80 : i32
        %mul3A_78 = arith.muli %mul3A_37, %mul3A_77 : i32
        %dma_start3A = tpu.memref_slice %arg7[%mul3A_78] : memref<10000xi32, #tpu.memory_space<vmem>> -> memref<80xi32, #tpu.memory_space<vmem>>
        %dma_start3A_79 = arith.constant 0 : i32
        %dma_start3A_80 = arith.constant 0 : i32
        %dma_start3A_81 = tpu.memref_slice %arg2[%dma_start3A_79, %dma_start3A_80] : memref<20000x128xf32, #tpu.memory_space<hbm>> -> memref<20000x128xf32, #tpu.memory_space<hbm>>
        tpu.enqueue_indirect_dma source(%dma_start3A_81 : memref<20000x128xf32, #tpu.memory_space<hbm>>) target(%arg9 : memref<80x128xf32, #tpu.memory_space<vmem>>) offsets(%dma_start3A : memref<80xi32, #tpu.memory_space<vmem>>) semaphore(%arg11 : memref<!tpu.dma_semaphore, #tpu.memory_space<semaphore_mem>>)
      } else {
      }
      %ge3A_45 = arith.constant 1 : i32
      %ge3A_46 = arith.cmpi sge, %mul3A_37, %ge3A_45 : i32
      %le3A_47 = arith.constant 125 : i32
      %le3A_48 = arith.cmpi sle, %mul3A_37, %le3A_47 : i32
      %and3A_49 = arith.andi %ge3A_46, %le3A_48 : i1
      %convert_element_type3A_50 = arith.extui %and3A_49 : i1 to i32
      %cond3A_51 = arith.constant 0 : i32
      %cond3A_52 = arith.cmpi ne, %convert_element_type3A_50, %cond3A_51 : i32
      scf.if %cond3A_52 {
        %sub3A = arith.constant 1 : i32
        %sub3A_77 = arith.subi %mul3A_37, %sub3A : i32
        %mul3A_78 = arith.constant 80 : i32
        %mul3A_79 = arith.muli %sub3A_77, %mul3A_78 : i32
        %dma_wait3A = tpu.memref_slice %arg7[%mul3A_79] : memref<10000xi32, #tpu.memory_space<vmem>> -> memref<80xi32, #tpu.memory_space<vmem>>
        %dma_wait3A_80 = arith.constant 0 : i32
        %dma_wait3A_81 = arith.constant 0 : i32
        %dma_wait3A_82 = tpu.memref_slice %arg2[%dma_wait3A_80, %dma_wait3A_81] : memref<20000x128xf32, #tpu.memory_space<hbm>> -> memref<20000x128xf32, #tpu.memory_space<hbm>>
        tpu.wait_indirect_dma semaphore(%arg12 : memref<!tpu.dma_semaphore, #tpu.memory_space<semaphore_mem>>) src(%dma_wait3A_82 : memref<20000x128xf32, #tpu.memory_space<hbm>>) dst(%arg10 : memref<80x128xf32, #tpu.memory_space<vmem>>)
        %sub3A_83 = arith.constant 1 : i32
        %sub3A_84 = arith.subi %mul3A_37, %sub3A_83 : i32
        %dma_start3A = arith.constant 0 : i32
        %dma_start3A_85 = tpu.memref_slice %arg8[%sub3A_84, %dma_start3A] : memref<125x80xi32, #tpu.memory_space<vmem>> -> memref<1x80xi32, #tpu.memory_space<vmem>>
        %dma_start3A_86 = tpu.memref_squeeze %dma_start3A_85 : memref<1x80xi32, #tpu.memory_space<vmem>> -> memref<80xi32, #tpu.memory_space<vmem>>
        %dma_start3A_87 = arith.constant 0 : i32
        %dma_start3A_88 = arith.constant 0 : i32
        %dma_start3A_89 = tpu.memref_slice %arg6[%dma_start3A_87, %dma_start3A_88] : memref<10000x128xf32, #tpu.memory_space<vmem_shared>> -> memref<10000x128xf32, #tpu.memory_space<vmem_shared>>
        tpu.enqueue_indirect_dma source(%arg10 : memref<80x128xf32, #tpu.memory_space<vmem>>) target(%dma_start3A_89 : memref<10000x128xf32, #tpu.memory_space<vmem_shared>>) offsets(%dma_start3A_86 : memref<80xi32, #tpu.memory_space<vmem>>) semaphore(%arg14 : memref<!tpu.dma_semaphore, #tpu.memory_space<semaphore_mem>>) {add = true}
      } else {
      }
      %mul3A_53 = arith.constant 2 : i32
      %mul3A_54 = arith.muli %mul3A_53, %scan3A_36 : i32
      %add3A = arith.constant 1 : i32
      %add3A_55 = arith.addi %mul3A_54, %add3A : i32
      %ge3A_56 = arith.constant 2 : i32
      %ge3A_57 = arith.cmpi sge, %add3A_55, %ge3A_56 : i32
      %le3A_58 = arith.constant 126 : i32
      %le3A_59 = arith.cmpi sle, %add3A_55, %le3A_58 : i32
      %and3A_60 = arith.andi %ge3A_57, %le3A_59 : i1
      %convert_element_type3A_61 = arith.extui %and3A_60 : i1 to i32
      %cond3A_62 = arith.constant 0 : i32
      %cond3A_63 = arith.cmpi ne, %convert_element_type3A_61, %cond3A_62 : i32
      scf.if %cond3A_63 {
        %sub3A = arith.constant 2 : i32
        %sub3A_77 = arith.subi %add3A_55, %sub3A : i32
        %dma_wait3A = arith.constant 0 : i32
        %dma_wait3A_78 = tpu.memref_slice %arg8[%sub3A_77, %dma_wait3A] : memref<125x80xi32, #tpu.memory_space<vmem>> -> memref<1x80xi32, #tpu.memory_space<vmem>>
        %dma_wait3A_79 = tpu.memref_squeeze %dma_wait3A_78 : memref<1x80xi32, #tpu.memory_space<vmem>> -> memref<80xi32, #tpu.memory_space<vmem>>
        %dma_wait3A_80 = arith.constant 0 : i32
        %dma_wait3A_81 = arith.constant 0 : i32
        %dma_wait3A_82 = tpu.memref_slice %arg6[%dma_wait3A_80, %dma_wait3A_81] : memref<10000x128xf32, #tpu.memory_space<vmem_shared>> -> memref<10000x128xf32, #tpu.memory_space<vmem_shared>>
        tpu.wait_indirect_dma semaphore(%arg14 : memref<!tpu.dma_semaphore, #tpu.memory_space<semaphore_mem>>) src(%arg10 : memref<80x128xf32, #tpu.memory_space<vmem>>) dst(%dma_wait3A_82 : memref<10000x128xf32, #tpu.memory_space<vmem_shared>>)
      } else {
      }
      %lt3A_64 = arith.constant 125 : i32
      %lt3A_65 = arith.cmpi slt, %add3A_55, %lt3A_64 : i32
      %convert_element_type3A_66 = arith.extui %lt3A_65 : i1 to i32
      %cond3A_67 = arith.constant 0 : i32
      %cond3A_68 = arith.cmpi ne, %convert_element_type3A_66, %cond3A_67 : i32
      scf.if %cond3A_68 {
        %mul3A_77 = arith.constant 80 : i32
        %mul3A_78 = arith.muli %add3A_55, %mul3A_77 : i32
        %dma_start3A = tpu.memref_slice %arg7[%mul3A_78] : memref<10000xi32, #tpu.memory_space<vmem>> -> memref<80xi32, #tpu.memory_space<vmem>>
        %dma_start3A_79 = arith.constant 0 : i32
        %dma_start3A_80 = arith.constant 0 : i32
        %dma_start3A_81 = tpu.memref_slice %arg2[%dma_start3A_79, %dma_start3A_80] : memref<20000x128xf32, #tpu.memory_space<hbm>> -> memref<20000x128xf32, #tpu.memory_space<hbm>>
        tpu.enqueue_indirect_dma source(%dma_start3A_81 : memref<20000x128xf32, #tpu.memory_space<hbm>>) target(%arg10 : memref<80x128xf32, #tpu.memory_space<vmem>>) offsets(%dma_start3A : memref<80xi32, #tpu.memory_space<vmem>>) semaphore(%arg12 : memref<!tpu.dma_semaphore, #tpu.memory_space<semaphore_mem>>)
      } else {
      }
      %ge3A_69 = arith.constant 1 : i32
      %ge3A_70 = arith.cmpi sge, %add3A_55, %ge3A_69 : i32
      %le3A_71 = arith.constant 125 : i32
      %le3A_72 = arith.cmpi sle, %add3A_55, %le3A_71 : i32
      %and3A_73 = arith.andi %ge3A_70, %le3A_72 : i1
      %convert_element_type3A_74 = arith.extui %and3A_73 : i1 to i32
      %cond3A_75 = arith.constant 0 : i32
      %cond3A_76 = arith.cmpi ne, %convert_element_type3A_74, %cond3A_75 : i32
      scf.if %cond3A_76 {
        %sub3A = arith.constant 1 : i32
        %sub3A_77 = arith.subi %add3A_55, %sub3A : i32
        %mul3A_78 = arith.constant 80 : i32
        %mul3A_79 = arith.muli %sub3A_77, %mul3A_78 : i32
        %dma_wait3A = tpu.memref_slice %arg7[%mul3A_79] : memref<10000xi32, #tpu.memory_space<vmem>> -> memref<80xi32, #tpu.memory_space<vmem>>
        %dma_wait3A_80 = arith.constant 0 : i32
        %dma_wait3A_81 = arith.constant 0 : i32
        %dma_wait3A_82 = tpu.memref_slice %arg2[%dma_wait3A_80, %dma_wait3A_81] : memref<20000x128xf32, #tpu.memory_space<hbm>> -> memref<20000x128xf32, #tpu.memory_space<hbm>>
        tpu.wait_indirect_dma semaphore(%arg11 : memref<!tpu.dma_semaphore, #tpu.memory_space<semaphore_mem>>) src(%dma_wait3A_82 : memref<20000x128xf32, #tpu.memory_space<hbm>>) dst(%arg9 : memref<80x128xf32, #tpu.memory_space<vmem>>)
        %sub3A_83 = arith.constant 1 : i32
        %sub3A_84 = arith.subi %add3A_55, %sub3A_83 : i32
        %dma_start3A = arith.constant 0 : i32
        %dma_start3A_85 = tpu.memref_slice %arg8[%sub3A_84, %dma_start3A] : memref<125x80xi32, #tpu.memory_space<vmem>> -> memref<1x80xi32, #tpu.memory_space<vmem>>
        %dma_start3A_86 = tpu.memref_squeeze %dma_start3A_85 : memref<1x80xi32, #tpu.memory_space<vmem>> -> memref<80xi32, #tpu.memory_space<vmem>>
        %dma_start3A_87 = arith.constant 0 : i32
        %dma_start3A_88 = arith.constant 0 : i32
        %dma_start3A_89 = tpu.memref_slice %arg6[%dma_start3A_87, %dma_start3A_88] : memref<10000x128xf32, #tpu.memory_space<vmem_shared>> -> memref<10000x128xf32, #tpu.memory_space<vmem_shared>>
        tpu.enqueue_indirect_dma source(%arg9 : memref<80x128xf32, #tpu.memory_space<vmem>>) target(%dma_start3A_89 : memref<10000x128xf32, #tpu.memory_space<vmem_shared>>) offsets(%dma_start3A_86 : memref<80xi32, #tpu.memory_space<vmem>>) semaphore(%arg13 : memref<!tpu.dma_semaphore, #tpu.memory_space<semaphore_mem>>) {add = true}
      } else {
      }
    }
    %scan3A_22 = arith.constant 65 : i32
    %barrier3A_23 = arith.constant 0 : index
    tpu.barrier barrier_id(%barrier3A_23)
    %scan3A_24 = arith.constant 0 : i32
    %scan3A_25 = arith.constant 0 : i32
    %scan3A_26 = arith.constant 8 : i32
    %scan3A_27 = arith.addi %scan3A_25, %scan3A_26 : i32
    %scan3A_28 = arith.constant 1 : i32
    scf.for %scan3A_36 = %scan3A_25 to %scan3A_27 step %scan3A_28  : i32 {
      %mul3A = arith.constant 16 : i32
      %mul3A_37 = arith.muli %scan3A_36, %mul3A : i32
      %add3A = arith.addi %mul3A_37, %arg1 : i32
      %lt3A = arith.constant 125 : i32
      %lt3A_38 = arith.cmpi slt, %add3A, %lt3A : i32
      %convert_element_type3A = arith.extui %lt3A_38 : i1 to i32
      %cond3A = arith.constant 0 : i32
      %cond3A_39 = arith.cmpi ne, %convert_element_type3A, %cond3A : i32
      scf.if %cond3A_39 {
        %mul3A_40 = arith.constant 80 : i32
        %mul3A_41 = arith.muli %add3A, %mul3A_40 : i32
        %mul3A_42 = arith.constant 10000 : i32
        %mul3A_43 = arith.muli %arg0, %mul3A_42 : i32
        %mul3A_44 = arith.constant 80 : i32
        %mul3A_45 = arith.muli %add3A, %mul3A_44 : i32
        %add3A_46 = arith.addi %mul3A_43, %mul3A_45 : i32
        %dma_start3A = arith.constant 0 : i32
        %dma_start3A_47 = tpu.memref_slice %arg5[%add3A_46, %dma_start3A] : memref<20000x128xf32, #tpu.memory_space<hbm>> -> memref<80x128xf32, #tpu.memory_space<hbm>>
        %dma_start3A_48 = arith.constant 0 : i32
        %dma_start3A_49 = tpu.memref_slice %arg6[%mul3A_41, %dma_start3A_48] : memref<10000x128xf32, #tpu.memory_space<vmem_shared>> -> memref<80x128xf32, #tpu.memory_space<vmem_shared>>
        tpu.enqueue_dma source(%dma_start3A_49 : memref<80x128xf32, #tpu.memory_space<vmem_shared>>) target(%dma_start3A_47 : memref<80x128xf32, #tpu.memory_space<hbm>>) target_semaphore(%arg11 : memref<!tpu.dma_semaphore, #tpu.memory_space<semaphore_mem>>)
      } else {
      }
    }
    %scan3A_29 = arith.constant 8 : i32
    %scan3A_30 = arith.constant 0 : i32
    %scan3A_31 = arith.constant 0 : i32
    %scan3A_32 = arith.constant 8 : i32
    %scan3A_33 = arith.addi %scan3A_31, %scan3A_32 : i32
    %scan3A_34 = arith.constant 1 : i32
    scf.for %scan3A_36 = %scan3A_31 to %scan3A_33 step %scan3A_34  : i32 {
      %mul3A = arith.constant 16 : i32
      %mul3A_37 = arith.muli %scan3A_36, %mul3A : i32
      %add3A = arith.addi %mul3A_37, %arg1 : i32
      %lt3A = arith.constant 125 : i32
      %lt3A_38 = arith.cmpi slt, %add3A, %lt3A : i32
      %convert_element_type3A = arith.extui %lt3A_38 : i1 to i32
      %cond3A = arith.constant 0 : i32
      %cond3A_39 = arith.cmpi ne, %convert_element_type3A, %cond3A : i32
      scf.if %cond3A_39 {
        %mul3A_40 = arith.constant 80 : i32
        %mul3A_41 = arith.muli %add3A, %mul3A_40 : i32
        %mul3A_42 = arith.constant 10000 : i32
        %mul3A_43 = arith.muli %arg0, %mul3A_42 : i32
        %mul3A_44 = arith.constant 80 : i32
        %mul3A_45 = arith.muli %add3A, %mul3A_44 : i32
        %add3A_46 = arith.addi %mul3A_43, %mul3A_45 : i32
        %dma_wait3A = arith.constant 0 : i32
        %dma_wait3A_47 = tpu.memref_slice %arg5[%add3A_46, %dma_wait3A] : memref<20000x128xf32, #tpu.memory_space<hbm>> -> memref<80x128xf32, #tpu.memory_space<hbm>>
        %dma_wait3A_48 = arith.constant 0 : i32
        %dma_wait3A_49 = tpu.memref_slice %arg6[%mul3A_41, %dma_wait3A_48] : memref<10000x128xf32, #tpu.memory_space<vmem_shared>> -> memref<80x128xf32, #tpu.memory_space<vmem_shared>>
        tpu.wait_dma2 semaphore(%arg11 : memref<!tpu.dma_semaphore, #tpu.memory_space<semaphore_mem>>) src(%dma_wait3A_49 : memref<80x128xf32, #tpu.memory_space<vmem_shared>>) dst(%dma_wait3A_47 : memref<80x128xf32, #tpu.memory_space<hbm>>)
      } else {
      }
    }
    %scan3A_35 = arith.constant 8 : i32
    return
  }
}

#map = affine_map<(d0, d1) -> (0, 0)>
#map1 = affine_map<(d0, d1) -> (0, 0, 0)>
module attributes {stable_mosaic.version = 14 : i64} {
  func.func @_seg_body(%arg0: i32, %arg1: i32, %arg2: memref<20000x128xf32, #tpu.memory_space<hbm>>, %arg3: memref<2x16x10000xi32, #tpu.memory_space<hbm>>, %arg4: memref<16x125x80xi32, #tpu.memory_space<hbm>>, %arg5: memref<20000x128xf32, #tpu.memory_space<hbm>>, %arg6: memref<10000x128xf32, #tpu.memory_space<vmem_shared>>, %arg7: memref<10000xi32, #tpu.memory_space<vmem>>, %arg8: memref<125x80xi32, #tpu.memory_space<vmem>>, %arg9: memref<80x128xf32, #tpu.memory_space<vmem>>, %arg10: memref<80x128xf32, #tpu.memory_space<vmem>>, %arg11: memref<!tpu.dma_semaphore, #tpu.memory_space<semaphore_mem>>, %arg12: memref<!tpu.dma_semaphore, #tpu.memory_space<semaphore_mem>>, %arg13: memref<!tpu.dma_semaphore, #tpu.memory_space<semaphore_mem>>, %arg14: memref<!tpu.dma_semaphore, #tpu.memory_space<semaphore_mem>>) attributes {dimension_semantics = [#tpu.dimension_semantics<core_parallel>, #tpu.dimension_semantics<subcore_parallel>], iteration_bounds = array<i64: 2, 16>, scalar_prefetch = 0 : i64, scratch_operands = 9 : i64, tpu.core_type = #tpu.core_type<sc_vector_subcore>, window_params = [{transform_indices = #map}, {transform_indices = #map1}, {transform_indices = #map1}, {transform_indices = #map}]} {
    "tpu.region"() ({
      %run_scoped3A = tpu.sem_alloc : memref<!tpu.dma_semaphore, #tpu.memory_space<semaphore_mem>>
      %dma_start3A = arith.constant 0 : i32
      %dma_start3A_36 = tpu.memref_slice %arg3[%arg0, %arg1, %dma_start3A] : memref<2x16x10000xi32, #tpu.memory_space<hbm>> -> memref<1x1x10000xi32, #tpu.memory_space<hbm>>
      %dma_start3A_37 = tpu.memref_squeeze %dma_start3A_36 : memref<1x1x10000xi32, #tpu.memory_space<hbm>> -> memref<10000xi32, #tpu.memory_space<hbm>>
      %dma_start3A_38 = arith.constant 0 : i32
      %dma_start3A_39 = tpu.memref_slice %arg3[%arg0, %arg1, %dma_start3A_38] : memref<2x16x10000xi32, #tpu.memory_space<hbm>> -> memref<1x1x10000xi32, #tpu.memory_space<hbm>>
      %dma_start3A_40 = tpu.memref_squeeze %dma_start3A_39 : memref<1x1x10000xi32, #tpu.memory_space<hbm>> -> memref<10000xi32, #tpu.memory_space<hbm>>
      tpu.enqueue_dma source(%dma_start3A_40 : memref<10000xi32, #tpu.memory_space<hbm>>) target(%arg7 : memref<10000xi32, #tpu.memory_space<vmem>>) target_semaphore(%run_scoped3A : memref<!tpu.dma_semaphore, #tpu.memory_space<semaphore_mem>>)
      %dma_wait3A = arith.constant 0 : i32
      %dma_wait3A_41 = tpu.memref_slice %arg3[%arg0, %arg1, %dma_wait3A] : memref<2x16x10000xi32, #tpu.memory_space<hbm>> -> memref<1x1x10000xi32, #tpu.memory_space<hbm>>
      %dma_wait3A_42 = tpu.memref_squeeze %dma_wait3A_41 : memref<1x1x10000xi32, #tpu.memory_space<hbm>> -> memref<10000xi32, #tpu.memory_space<hbm>>
      %dma_wait3A_43 = arith.constant 0 : i32
      %dma_wait3A_44 = tpu.memref_slice %arg3[%arg0, %arg1, %dma_wait3A_43] : memref<2x16x10000xi32, #tpu.memory_space<hbm>> -> memref<1x1x10000xi32, #tpu.memory_space<hbm>>
      %dma_wait3A_45 = tpu.memref_squeeze %dma_wait3A_44 : memref<1x1x10000xi32, #tpu.memory_space<hbm>> -> memref<10000xi32, #tpu.memory_space<hbm>>
      tpu.wait_dma2 semaphore(%run_scoped3A : memref<!tpu.dma_semaphore, #tpu.memory_space<semaphore_mem>>) src(%dma_wait3A_45 : memref<10000xi32, #tpu.memory_space<hbm>>) dst(%arg7 : memref<10000xi32, #tpu.memory_space<vmem>>)
      tpu.yield
    }) : () -> ()
    "tpu.region"() ({
      %run_scoped3A = tpu.sem_alloc : memref<!tpu.dma_semaphore, #tpu.memory_space<semaphore_mem>>
      %dma_start3A = arith.constant 0 : i32
      %dma_start3A_36 = arith.constant 0 : i32
      %dma_start3A_37 = tpu.memref_slice %arg4[%arg1, %dma_start3A, %dma_start3A_36] : memref<16x125x80xi32, #tpu.memory_space<hbm>> -> memref<1x125x80xi32, #tpu.memory_space<hbm>>
      %dma_start3A_38 = tpu.memref_squeeze %dma_start3A_37 : memref<1x125x80xi32, #tpu.memory_space<hbm>> -> memref<125x80xi32, #tpu.memory_space<hbm>>
      %dma_start3A_39 = arith.constant 0 : i32
      %dma_start3A_40 = arith.constant 0 : i32
      %dma_start3A_41 = tpu.memref_slice %arg4[%arg1, %dma_start3A_39, %dma_start3A_40] : memref<16x125x80xi32, #tpu.memory_space<hbm>> -> memref<1x125x80xi32, #tpu.memory_space<hbm>>
      %dma_start3A_42 = tpu.memref_squeeze %dma_start3A_41 : memref<1x125x80xi32, #tpu.memory_space<hbm>> -> memref<125x80xi32, #tpu.memory_space<hbm>>
      tpu.enqueue_dma source(%dma_start3A_42 : memref<125x80xi32, #tpu.memory_space<hbm>>) target(%arg8 : memref<125x80xi32, #tpu.memory_space<vmem>>) target_semaphore(%run_scoped3A : memref<!tpu.dma_semaphore, #tpu.memory_space<semaphore_mem>>)
      %dma_wait3A = arith.constant 0 : i32
      %dma_wait3A_43 = arith.constant 0 : i32
      %dma_wait3A_44 = tpu.memref_slice %arg4[%arg1, %dma_wait3A, %dma_wait3A_43] : memref<16x125x80xi32, #tpu.memory_space<hbm>> -> memref<1x125x80xi32, #tpu.memory_space<hbm>>
      %dma_wait3A_45 = tpu.memref_squeeze %dma_wait3A_44 : memref<1x125x80xi32, #tpu.memory_space<hbm>> -> memref<125x80xi32, #tpu.memory_space<hbm>>
      %dma_wait3A_46 = arith.constant 0 : i32
      %dma_wait3A_47 = arith.constant 0 : i32
      %dma_wait3A_48 = tpu.memref_slice %arg4[%arg1, %dma_wait3A_46, %dma_wait3A_47] : memref<16x125x80xi32, #tpu.memory_space<hbm>> -> memref<1x125x80xi32, #tpu.memory_space<hbm>>
      %dma_wait3A_49 = tpu.memref_squeeze %dma_wait3A_48 : memref<1x125x80xi32, #tpu.memory_space<hbm>> -> memref<125x80xi32, #tpu.memory_space<hbm>>
      tpu.wait_dma2 semaphore(%run_scoped3A : memref<!tpu.dma_semaphore, #tpu.memory_space<semaphore_mem>>) src(%dma_wait3A_49 : memref<125x80xi32, #tpu.memory_space<hbm>>) dst(%arg8 : memref<125x80xi32, #tpu.memory_space<vmem>>)
      tpu.yield
    }) : () -> ()
    %scan3A = arith.constant 0 : i32
    %scan3A_0 = arith.constant 0 : i32
    %scan3A_1 = arith.constant 80 : i32
    %scan3A_2 = arith.addi %scan3A_0, %scan3A_1 : i32
    %scan3A_3 = arith.constant 1 : i32
    scf.for %scan3A_36 = %scan3A_0 to %scan3A_2 step %scan3A_3  : i32 {
      %broadcast_in_dim3A = arith.constant 0.000000e+00 : f32
      %broadcast_in_dim3A_37 = vector.broadcast %broadcast_in_dim3A : f32 to vector<16xf32>
      %swap3A = arith.index_cast %scan3A_36 : i32 to index
      %swap3A_38 = arith.constant 0 : index
      %swap3A_39 = tpu.vector_load %arg9[%swap3A, %swap3A_38] {strides = array<i32>} : memref<80x128xf32, #tpu.memory_space<vmem>>, vector<1x16xf32>,
      %swap3A_40 = vector.shape_cast %swap3A_39 : vector<1x16xf32> to vector<16xf32>
      %swap3A_41 = vector.shape_cast %broadcast_in_dim3A_37 : vector<16xf32> to vector<1x16xf32>
      tpu.vector_store %arg9[%swap3A, %swap3A_38], %swap3A_41 {strides = array<i32>} : memref<80x128xf32, #tpu.memory_space<vmem>>, vector<1x16xf32>,
      %broadcast_in_dim3A_42 = arith.constant 0.000000e+00 : f32
      %broadcast_in_dim3A_43 = vector.broadcast %broadcast_in_dim3A_42 : f32 to vector<16xf32>
      %swap3A_44 = arith.index_cast %scan3A_36 : i32 to index
      %swap3A_45 = arith.constant 16 : index
      %swap3A_46 = tpu.vector_load %arg9[%swap3A_44, %swap3A_45] {strides = array<i32>} : memref<80x128xf32, #tpu.memory_space<vmem>>, vector<1x16xf32>,
      %swap3A_47 = vector.shape_cast %swap3A_46 : vector<1x16xf32> to vector<16xf32>
      %swap3A_48 = vector.shape_cast %broadcast_in_dim3A_43 : vector<16xf32> to vector<1x16xf32>
      tpu.vector_store %arg9[%swap3A_44, %swap3A_45], %swap3A_48 {strides = array<i32>} : memref<80x128xf32, #tpu.memory_space<vmem>>, vector<1x16xf32>,
      %broadcast_in_dim3A_49 = arith.constant 0.000000e+00 : f32
      %broadcast_in_dim3A_50 = vector.broadcast %broadcast_in_dim3A_49 : f32 to vector<16xf32>
      %swap3A_51 = arith.index_cast %scan3A_36 : i32 to index
      %swap3A_52 = arith.constant 32 : index
      %swap3A_53 = tpu.vector_load %arg9[%swap3A_51, %swap3A_52] {strides = array<i32>} : memref<80x128xf32, #tpu.memory_space<vmem>>, vector<1x16xf32>,
      %swap3A_54 = vector.shape_cast %swap3A_53 : vector<1x16xf32> to vector<16xf32>
      %swap3A_55 = vector.shape_cast %broadcast_in_dim3A_50 : vector<16xf32> to vector<1x16xf32>
      tpu.vector_store %arg9[%swap3A_51, %swap3A_52], %swap3A_55 {strides = array<i32>} : memref<80x128xf32, #tpu.memory_space<vmem>>, vector<1x16xf32>,
      %broadcast_in_dim3A_56 = arith.constant 0.000000e+00 : f32
      %broadcast_in_dim3A_57 = vector.broadcast %broadcast_in_dim3A_56 : f32 to vector<16xf32>
      %swap3A_58 = arith.index_cast %scan3A_36 : i32 to index
      %swap3A_59 = arith.constant 48 : index
      %swap3A_60 = tpu.vector_load %arg9[%swap3A_58, %swap3A_59] {strides = array<i32>} : memref<80x128xf32, #tpu.memory_space<vmem>>, vector<1x16xf32>,
      %swap3A_61 = vector.shape_cast %swap3A_60 : vector<1x16xf32> to vector<16xf32>
      %swap3A_62 = vector.shape_cast %broadcast_in_dim3A_57 : vector<16xf32> to vector<1x16xf32>
      tpu.vector_store %arg9[%swap3A_58, %swap3A_59], %swap3A_62 {strides = array<i32>} : memref<80x128xf32, #tpu.memory_space<vmem>>, vector<1x16xf32>,
      %broadcast_in_dim3A_63 = arith.constant 0.000000e+00 : f32
      %broadcast_in_dim3A_64 = vector.broadcast %broadcast_in_dim3A_63 : f32 to vector<16xf32>
      %swap3A_65 = arith.index_cast %scan3A_36 : i32 to index
      %swap3A_66 = arith.constant 64 : index
      %swap3A_67 = tpu.vector_load %arg9[%swap3A_65, %swap3A_66] {strides = array<i32>} : memref<80x128xf32, #tpu.memory_space<vmem>>, vector<1x16xf32>,
      %swap3A_68 = vector.shape_cast %swap3A_67 : vector<1x16xf32> to vector<16xf32>
      %swap3A_69 = vector.shape_cast %broadcast_in_dim3A_64 : vector<16xf32> to vector<1x16xf32>
      tpu.vector_store %arg9[%swap3A_65, %swap3A_66], %swap3A_69 {strides = array<i32>} : memref<80x128xf32, #tpu.memory_space<vmem>>, vector<1x16xf32>,
      %broadcast_in_dim3A_70 = arith.constant 0.000000e+00 : f32
      %broadcast_in_dim3A_71 = vector.broadcast %broadcast_in_dim3A_70 : f32 to vector<16xf32>
      %swap3A_72 = arith.index_cast %scan3A_36 : i32 to index
      %swap3A_73 = arith.constant 80 : index
      %swap3A_74 = tpu.vector_load %arg9[%swap3A_72, %swap3A_73] {strides = array<i32>} : memref<80x128xf32, #tpu.memory_space<vmem>>, vector<1x16xf32>,
      %swap3A_75 = vector.shape_cast %swap3A_74 : vector<1x16xf32> to vector<16xf32>
      %swap3A_76 = vector.shape_cast %broadcast_in_dim3A_71 : vector<16xf32> to vector<1x16xf32>
      tpu.vector_store %arg9[%swap3A_72, %swap3A_73], %swap3A_76 {strides = array<i32>} : memref<80x128xf32, #tpu.memory_space<vmem>>, vector<1x16xf32>,
      %broadcast_in_dim3A_77 = arith.constant 0.000000e+00 : f32
      %broadcast_in_dim3A_78 = vector.broadcast %broadcast_in_dim3A_77 : f32 to vector<16xf32>
      %swap3A_79 = arith.index_cast %scan3A_36 : i32 to index
      %swap3A_80 = arith.constant 96 : index
      %swap3A_81 = tpu.vector_load %arg9[%swap3A_79, %swap3A_80] {strides = array<i32>} : memref<80x128xf32, #tpu.memory_space<vmem>>, vector<1x16xf32>,
      %swap3A_82 = vector.shape_cast %swap3A_81 : vector<1x16xf32> to vector<16xf32>
      %swap3A_83 = vector.shape_cast %broadcast_in_dim3A_78 : vector<16xf32> to vector<1x16xf32>
      tpu.vector_store %arg9[%swap3A_79, %swap3A_80], %swap3A_83 {strides = array<i32>} : memref<80x128xf32, #tpu.memory_space<vmem>>, vector<1x16xf32>,
      %broadcast_in_dim3A_84 = arith.constant 0.000000e+00 : f32
      %broadcast_in_dim3A_85 = vector.broadcast %broadcast_in_dim3A_84 : f32 to vector<16xf32>
      %swap3A_86 = arith.index_cast %scan3A_36 : i32 to index
      %swap3A_87 = arith.constant 112 : index
      %swap3A_88 = tpu.vector_load %arg9[%swap3A_86, %swap3A_87] {strides = array<i32>} : memref<80x128xf32, #tpu.memory_space<vmem>>, vector<1x16xf32>,
      %swap3A_89 = vector.shape_cast %swap3A_88 : vector<1x16xf32> to vector<16xf32>
      %swap3A_90 = vector.shape_cast %broadcast_in_dim3A_85 : vector<16xf32> to vector<1x16xf32>
      tpu.vector_store %arg9[%swap3A_86, %swap3A_87], %swap3A_90 {strides = array<i32>} : memref<80x128xf32, #tpu.memory_space<vmem>>, vector<1x16xf32>,
    }
    %scan3A_4 = arith.constant 80 : i32
    %scan3A_5 = arith.constant 0 : i32
    %scan3A_6 = arith.constant 0 : i32
    %scan3A_7 = arith.constant 8 : i32
    %scan3A_8 = arith.addi %scan3A_6, %scan3A_7 : i32
    %scan3A_9 = arith.constant 1 : i32
    scf.for %scan3A_36 = %scan3A_6 to %scan3A_8 step %scan3A_9  : i32 {
      %mul3A = arith.constant 16 : i32
      %mul3A_37 = arith.muli %scan3A_36, %mul3A : i32
      %add3A = arith.addi %mul3A_37, %arg1 : i32
      %lt3A = arith.constant 125 : i32
      %lt3A_38 = arith.cmpi slt, %add3A, %lt3A : i32
      %convert_element_type3A = arith.extui %lt3A_38 : i1 to i32
      %cond3A = arith.constant 0 : i32
      %cond3A_39 = arith.cmpi ne, %convert_element_type3A, %cond3A : i32
      scf.if %cond3A_39 {
        %mul3A_40 = arith.constant 80 : i32
        %mul3A_41 = arith.muli %add3A, %mul3A_40 : i32
        %dma_start3A = arith.constant 0 : i32
        %dma_start3A_42 = tpu.memref_slice %arg6[%mul3A_41, %dma_start3A] : memref<10000x128xf32, #tpu.memory_space<vmem_shared>> -> memref<80x128xf32, #tpu.memory_space<vmem_shared>>
        %dma_start3A_43 = arith.constant 0 : i32
        %dma_start3A_44 = tpu.memref_slice %arg6[%mul3A_41, %dma_start3A_43] : memref<10000x128xf32, #tpu.memory_space<vmem_shared>> -> memref<80x128xf32, #tpu.memory_space<vmem_shared>>
        tpu.enqueue_dma source(%arg9 : memref<80x128xf32, #tpu.memory_space<vmem>>) target(%dma_start3A_44 : memref<80x128xf32, #tpu.memory_space<vmem_shared>>) target_semaphore(%arg11 : memref<!tpu.dma_semaphore, #tpu.memory_space<semaphore_mem>>)
      } else {
      }
    }
    %scan3A_10 = arith.constant 8 : i32
    %scan3A_11 = arith.constant 0 : i32
    %scan3A_12 = arith.constant 0 : i32
    %scan3A_13 = arith.constant 8 : i32
    %scan3A_14 = arith.addi %scan3A_12, %scan3A_13 : i32
    %scan3A_15 = arith.constant 1 : i32
    scf.for %scan3A_36 = %scan3A_12 to %scan3A_14 step %scan3A_15  : i32 {
      %mul3A = arith.constant 16 : i32
      %mul3A_37 = arith.muli %scan3A_36, %mul3A : i32
      %add3A = arith.addi %mul3A_37, %arg1 : i32
      %lt3A = arith.constant 125 : i32
      %lt3A_38 = arith.cmpi slt, %add3A, %lt3A : i32
      %convert_element_type3A = arith.extui %lt3A_38 : i1 to i32
      %cond3A = arith.constant 0 : i32
      %cond3A_39 = arith.cmpi ne, %convert_element_type3A, %cond3A : i32
      scf.if %cond3A_39 {
        %mul3A_40 = arith.constant 80 : i32
        %mul3A_41 = arith.muli %add3A, %mul3A_40 : i32
        %dma_wait3A = arith.constant 0 : i32
        %dma_wait3A_42 = tpu.memref_slice %arg6[%mul3A_41, %dma_wait3A] : memref<10000x128xf32, #tpu.memory_space<vmem_shared>> -> memref<80x128xf32, #tpu.memory_space<vmem_shared>>
        %dma_wait3A_43 = arith.constant 0 : i32
        %dma_wait3A_44 = tpu.memref_slice %arg6[%mul3A_41, %dma_wait3A_43] : memref<10000x128xf32, #tpu.memory_space<vmem_shared>> -> memref<80x128xf32, #tpu.memory_space<vmem_shared>>
        tpu.wait_dma2 semaphore(%arg11 : memref<!tpu.dma_semaphore, #tpu.memory_space<semaphore_mem>>) src(%arg9 : memref<80x128xf32, #tpu.memory_space<vmem>>) dst(%dma_wait3A_44 : memref<80x128xf32, #tpu.memory_space<vmem_shared>>)
      } else {
      }
    }
    %scan3A_16 = arith.constant 8 : i32
    %barrier3A = arith.constant 0 : index
    tpu.barrier barrier_id(%barrier3A)
    %scan3A_17 = arith.constant 0 : i32
    %scan3A_18 = arith.constant 0 : i32
    %scan3A_19 = arith.constant 65 : i32
    %scan3A_20 = arith.addi %scan3A_18, %scan3A_19 : i32
    %scan3A_21 = arith.constant 1 : i32
    scf.for %scan3A_36 = %scan3A_18 to %scan3A_20 step %scan3A_21  : i32 {
      %mul3A = arith.constant 2 : i32
      %mul3A_37 = arith.muli %mul3A, %scan3A_36 : i32
      %ge3A = arith.constant 2 : i32
      %ge3A_38 = arith.cmpi sge, %mul3A_37, %ge3A : i32
      %le3A = arith.constant 126 : i32
      %le3A_39 = arith.cmpi sle, %mul3A_37, %le3A : i32
      %and3A = arith.andi %ge3A_38, %le3A_39 : i1
      %convert_element_type3A = arith.extui %and3A : i1 to i32
      %cond3A = arith.constant 0 : i32
      %cond3A_40 = arith.cmpi ne, %convert_element_type3A, %cond3A : i32
      scf.if %cond3A_40 {
        %sub3A = arith.constant 2 : i32
        %sub3A_77 = arith.subi %mul3A_37, %sub3A : i32
        %dma_wait3A = arith.constant 0 : i32
        %dma_wait3A_78 = tpu.memref_slice %arg8[%sub3A_77, %dma_wait3A] : memref<125x80xi32, #tpu.memory_space<vmem>> -> memref<1x80xi32, #tpu.memory_space<vmem>>
        %dma_wait3A_79 = tpu.memref_squeeze %dma_wait3A_78 : memref<1x80xi32, #tpu.memory_space<vmem>> -> memref<80xi32, #tpu.memory_space<vmem>>
        %dma_wait3A_80 = arith.constant 0 : i32
        %dma_wait3A_81 = arith.constant 0 : i32
        %dma_wait3A_82 = tpu.memref_slice %arg6[%dma_wait3A_80, %dma_wait3A_81] : memref<10000x128xf32, #tpu.memory_space<vmem_shared>> -> memref<10000x128xf32, #tpu.memory_space<vmem_shared>>
        tpu.wait_indirect_dma semaphore(%arg13 : memref<!tpu.dma_semaphore, #tpu.memory_space<semaphore_mem>>) src(%arg9 : memref<80x128xf32, #tpu.memory_space<vmem>>) dst(%dma_wait3A_82 : memref<10000x128xf32, #tpu.memory_space<vmem_shared>>)
      } else {
      }
      %lt3A = arith.constant 125 : i32
      %lt3A_41 = arith.cmpi slt, %mul3A_37, %lt3A : i32
      %convert_element_type3A_42 = arith.extui %lt3A_41 : i1 to i32
      %cond3A_43 = arith.constant 0 : i32
      %cond3A_44 = arith.cmpi ne, %convert_element_type3A_42, %cond3A_43 : i32
      scf.if %cond3A_44 {
        %mul3A_77 = arith.constant 80 : i32
        %mul3A_78 = arith.muli %mul3A_37, %mul3A_77 : i32
        %dma_start3A = tpu.memref_slice %arg7[%mul3A_78] : memref<10000xi32, #tpu.memory_space<vmem>> -> memref<80xi32, #tpu.memory_space<vmem>>
        %dma_start3A_79 = arith.constant 0 : i32
        %dma_start3A_80 = arith.constant 0 : i32
        %dma_start3A_81 = tpu.memref_slice %arg2[%dma_start3A_79, %dma_start3A_80] : memref<20000x128xf32, #tpu.memory_space<hbm>> -> memref<20000x128xf32, #tpu.memory_space<hbm>>
        tpu.enqueue_indirect_dma source(%dma_start3A_81 : memref<20000x128xf32, #tpu.memory_space<hbm>>) target(%arg9 : memref<80x128xf32, #tpu.memory_space<vmem>>) offsets(%dma_start3A : memref<80xi32, #tpu.memory_space<vmem>>) semaphore(%arg11 : memref<!tpu.dma_semaphore, #tpu.memory_space<semaphore_mem>>)
      } else {
      }
      %ge3A_45 = arith.constant 1 : i32
      %ge3A_46 = arith.cmpi sge, %mul3A_37, %ge3A_45 : i32
      %le3A_47 = arith.constant 125 : i32
      %le3A_48 = arith.cmpi sle, %mul3A_37, %le3A_47 : i32
      %and3A_49 = arith.andi %ge3A_46, %le3A_48 : i1
      %convert_element_type3A_50 = arith.extui %and3A_49 : i1 to i32
      %cond3A_51 = arith.constant 0 : i32
      %cond3A_52 = arith.cmpi ne, %convert_element_type3A_50, %cond3A_51 : i32
      scf.if %cond3A_52 {
        %sub3A = arith.constant 1 : i32
        %sub3A_77 = arith.subi %mul3A_37, %sub3A : i32
        %mul3A_78 = arith.constant 80 : i32
        %mul3A_79 = arith.muli %sub3A_77, %mul3A_78 : i32
        %dma_wait3A = tpu.memref_slice %arg7[%mul3A_79] : memref<10000xi32, #tpu.memory_space<vmem>> -> memref<80xi32, #tpu.memory_space<vmem>>
        %dma_wait3A_80 = arith.constant 0 : i32
        %dma_wait3A_81 = arith.constant 0 : i32
        %dma_wait3A_82 = tpu.memref_slice %arg2[%dma_wait3A_80, %dma_wait3A_81] : memref<20000x128xf32, #tpu.memory_space<hbm>> -> memref<20000x128xf32, #tpu.memory_space<hbm>>
        tpu.wait_indirect_dma semaphore(%arg12 : memref<!tpu.dma_semaphore, #tpu.memory_space<semaphore_mem>>) src(%dma_wait3A_82 : memref<20000x128xf32, #tpu.memory_space<hbm>>) dst(%arg10 : memref<80x128xf32, #tpu.memory_space<vmem>>)
        %sub3A_83 = arith.constant 1 : i32
        %sub3A_84 = arith.subi %mul3A_37, %sub3A_83 : i32
        %dma_start3A = arith.constant 0 : i32
        %dma_start3A_85 = tpu.memref_slice %arg8[%sub3A_84, %dma_start3A] : memref<125x80xi32, #tpu.memory_space<vmem>> -> memref<1x80xi32, #tpu.memory_space<vmem>>
        %dma_start3A_86 = tpu.memref_squeeze %dma_start3A_85 : memref<1x80xi32, #tpu.memory_space<vmem>> -> memref<80xi32, #tpu.memory_space<vmem>>
        %dma_start3A_87 = arith.constant 0 : i32
        %dma_start3A_88 = arith.constant 0 : i32
        %dma_start3A_89 = tpu.memref_slice %arg6[%dma_start3A_87, %dma_start3A_88] : memref<10000x128xf32, #tpu.memory_space<vmem_shared>> -> memref<10000x128xf32, #tpu.memory_space<vmem_shared>>
        tpu.enqueue_indirect_dma source(%arg10 : memref<80x128xf32, #tpu.memory_space<vmem>>) target(%dma_start3A_89 : memref<10000x128xf32, #tpu.memory_space<vmem_shared>>) offsets(%dma_start3A_86 : memref<80xi32, #tpu.memory_space<vmem>>) semaphore(%arg14 : memref<!tpu.dma_semaphore, #tpu.memory_space<semaphore_mem>>) {add = true}
      } else {
      }
      %mul3A_53 = arith.constant 2 : i32
      %mul3A_54 = arith.muli %mul3A_53, %scan3A_36 : i32
      %add3A = arith.constant 1 : i32
      %add3A_55 = arith.addi %mul3A_54, %add3A : i32
      %ge3A_56 = arith.constant 2 : i32
      %ge3A_57 = arith.cmpi sge, %add3A_55, %ge3A_56 : i32
      %le3A_58 = arith.constant 126 : i32
      %le3A_59 = arith.cmpi sle, %add3A_55, %le3A_58 : i32
      %and3A_60 = arith.andi %ge3A_57, %le3A_59 : i1
      %convert_element_type3A_61 = arith.extui %and3A_60 : i1 to i32
      %cond3A_62 = arith.constant 0 : i32
      %cond3A_63 = arith.cmpi ne, %convert_element_type3A_61, %cond3A_62 : i32
      scf.if %cond3A_63 {
        %sub3A = arith.constant 2 : i32
        %sub3A_77 = arith.subi %add3A_55, %sub3A : i32
        %dma_wait3A = arith.constant 0 : i32
        %dma_wait3A_78 = tpu.memref_slice %arg8[%sub3A_77, %dma_wait3A] : memref<125x80xi32, #tpu.memory_space<vmem>> -> memref<1x80xi32, #tpu.memory_space<vmem>>
        %dma_wait3A_79 = tpu.memref_squeeze %dma_wait3A_78 : memref<1x80xi32, #tpu.memory_space<vmem>> -> memref<80xi32, #tpu.memory_space<vmem>>
        %dma_wait3A_80 = arith.constant 0 : i32
        %dma_wait3A_81 = arith.constant 0 : i32
        %dma_wait3A_82 = tpu.memref_slice %arg6[%dma_wait3A_80, %dma_wait3A_81] : memref<10000x128xf32, #tpu.memory_space<vmem_shared>> -> memref<10000x128xf32, #tpu.memory_space<vmem_shared>>
        tpu.wait_indirect_dma semaphore(%arg14 : memref<!tpu.dma_semaphore, #tpu.memory_space<semaphore_mem>>) src(%arg10 : memref<80x128xf32, #tpu.memory_space<vmem>>) dst(%dma_wait3A_82 : memref<10000x128xf32, #tpu.memory_space<vmem_shared>>)
      } else {
      }
      %lt3A_64 = arith.constant 125 : i32
      %lt3A_65 = arith.cmpi slt, %add3A_55, %lt3A_64 : i32
      %convert_element_type3A_66 = arith.extui %lt3A_65 : i1 to i32
      %cond3A_67 = arith.constant 0 : i32
      %cond3A_68 = arith.cmpi ne, %convert_element_type3A_66, %cond3A_67 : i32
      scf.if %cond3A_68 {
        %mul3A_77 = arith.constant 80 : i32
        %mul3A_78 = arith.muli %add3A_55, %mul3A_77 : i32
        %dma_start3A = tpu.memref_slice %arg7[%mul3A_78] : memref<10000xi32, #tpu.memory_space<vmem>> -> memref<80xi32, #tpu.memory_space<vmem>>
        %dma_start3A_79 = arith.constant 0 : i32
        %dma_start3A_80 = arith.constant 0 : i32
        %dma_start3A_81 = tpu.memref_slice %arg2[%dma_start3A_79, %dma_start3A_80] : memref<20000x128xf32, #tpu.memory_space<hbm>> -> memref<20000x128xf32, #tpu.memory_space<hbm>>
        tpu.enqueue_indirect_dma source(%dma_start3A_81 : memref<20000x128xf32, #tpu.memory_space<hbm>>) target(%arg10 : memref<80x128xf32, #tpu.memory_space<vmem>>) offsets(%dma_start3A : memref<80xi32, #tpu.memory_space<vmem>>) semaphore(%arg12 : memref<!tpu.dma_semaphore, #tpu.memory_space<semaphore_mem>>)
      } else {
      }
      %ge3A_69 = arith.constant 1 : i32
      %ge3A_70 = arith.cmpi sge, %add3A_55, %ge3A_69 : i32
      %le3A_71 = arith.constant 125 : i32
      %le3A_72 = arith.cmpi sle, %add3A_55, %le3A_71 : i32
      %and3A_73 = arith.andi %ge3A_70, %le3A_72 : i1
      %convert_element_type3A_74 = arith.extui %and3A_73 : i1 to i32
      %cond3A_75 = arith.constant 0 : i32
      %cond3A_76 = arith.cmpi ne, %convert_element_type3A_74, %cond3A_75 : i32
      scf.if %cond3A_76 {
        %sub3A = arith.constant 1 : i32
        %sub3A_77 = arith.subi %add3A_55, %sub3A : i32
        %mul3A_78 = arith.constant 80 : i32
        %mul3A_79 = arith.muli %sub3A_77, %mul3A_78 : i32
        %dma_wait3A = tpu.memref_slice %arg7[%mul3A_79] : memref<10000xi32, #tpu.memory_space<vmem>> -> memref<80xi32, #tpu.memory_space<vmem>>
        %dma_wait3A_80 = arith.constant 0 : i32
        %dma_wait3A_81 = arith.constant 0 : i32
        %dma_wait3A_82 = tpu.memref_slice %arg2[%dma_wait3A_80, %dma_wait3A_81] : memref<20000x128xf32, #tpu.memory_space<hbm>> -> memref<20000x128xf32, #tpu.memory_space<hbm>>
        tpu.wait_indirect_dma semaphore(%arg11 : memref<!tpu.dma_semaphore, #tpu.memory_space<semaphore_mem>>) src(%dma_wait3A_82 : memref<20000x128xf32, #tpu.memory_space<hbm>>) dst(%arg9 : memref<80x128xf32, #tpu.memory_space<vmem>>)
        %sub3A_83 = arith.constant 1 : i32
        %sub3A_84 = arith.subi %add3A_55, %sub3A_83 : i32
        %dma_start3A = arith.constant 0 : i32
        %dma_start3A_85 = tpu.memref_slice %arg8[%sub3A_84, %dma_start3A] : memref<125x80xi32, #tpu.memory_space<vmem>> -> memref<1x80xi32, #tpu.memory_space<vmem>>
        %dma_start3A_86 = tpu.memref_squeeze %dma_start3A_85 : memref<1x80xi32, #tpu.memory_space<vmem>> -> memref<80xi32, #tpu.memory_space<vmem>>
        %dma_start3A_87 = arith.constant 0 : i32
        %dma_start3A_88 = arith.constant 0 : i32
        %dma_start3A_89 = tpu.memref_slice %arg6[%dma_start3A_87, %dma_start3A_88] : memref<10000x128xf32, #tpu.memory_space<vmem_shared>> -> memref<10000x128xf32, #tpu.memory_space<vmem_shared>>
        tpu.enqueue_indirect_dma source(%arg9 : memref<80x128xf32, #tpu.memory_space<vmem>>) target(%dma_start3A_89 : memref<10000x128xf32, #tpu.memory_space<vmem_shared>>) offsets(%dma_start3A_86 : memref<80xi32, #tpu.memory_space<vmem>>) semaphore(%arg13 : memref<!tpu.dma_semaphore, #tpu.memory_space<semaphore_mem>>) {add = true}
      } else {
      }
    }
    %scan3A_22 = arith.constant 65 : i32
    %barrier3A_23 = arith.constant 0 : index
    tpu.barrier barrier_id(%barrier3A_23)
    %scan3A_24 = arith.constant 0 : i32
    %scan3A_25 = arith.constant 0 : i32
    %scan3A_26 = arith.constant 8 : i32
    %scan3A_27 = arith.addi %scan3A_25, %scan3A_26 : i32
    %scan3A_28 = arith.constant 1 : i32
    scf.for %scan3A_36 = %scan3A_25 to %scan3A_27 step %scan3A_28  : i32 {
      %mul3A = arith.constant 16 : i32
      %mul3A_37 = arith.muli %scan3A_36, %mul3A : i32
      %add3A = arith.addi %mul3A_37, %arg1 : i32
      %lt3A = arith.constant 125 : i32
      %lt3A_38 = arith.cmpi slt, %add3A, %lt3A : i32
      %convert_element_type3A = arith.extui %lt3A_38 : i1 to i32
      %cond3A = arith.constant 0 : i32
      %cond3A_39 = arith.cmpi ne, %convert_element_type3A, %cond3A : i32
      scf.if %cond3A_39 {
        %mul3A_40 = arith.constant 80 : i32
        %mul3A_41 = arith.muli %add3A, %mul3A_40 : i32
        %mul3A_42 = arith.constant 10000 : i32
        %mul3A_43 = arith.muli %arg0, %mul3A_42 : i32
        %mul3A_44 = arith.constant 80 : i32
        %mul3A_45 = arith.muli %add3A, %mul3A_44 : i32
        %add3A_46 = arith.addi %mul3A_43, %mul3A_45 : i32
        %dma_start3A = arith.constant 0 : i32
        %dma_start3A_47 = tpu.memref_slice %arg5[%add3A_46, %dma_start3A] : memref<20000x128xf32, #tpu.memory_space<hbm>> -> memref<80x128xf32, #tpu.memory_space<hbm>>
        %dma_start3A_48 = arith.constant 0 : i32
        %dma_start3A_49 = tpu.memref_slice %arg6[%mul3A_41, %dma_start3A_48] : memref<10000x128xf32, #tpu.memory_space<vmem_shared>> -> memref<80x128xf32, #tpu.memory_space<vmem_shared>>
        tpu.enqueue_dma source(%dma_start3A_49 : memref<80x128xf32, #tpu.memory_space<vmem_shared>>) target(%dma_start3A_47 : memref<80x128xf32, #tpu.memory_space<hbm>>) target_semaphore(%arg11 : memref<!tpu.dma_semaphore, #tpu.memory_space<semaphore_mem>>)
      } else {
      }
    }
    %scan3A_29 = arith.constant 8 : i32
    %scan3A_30 = arith.constant 0 : i32
    %scan3A_31 = arith.constant 0 : i32
    %scan3A_32 = arith.constant 8 : i32
    %scan3A_33 = arith.addi %scan3A_31, %scan3A_32 : i32
    %scan3A_34 = arith.constant 1 : i32
    scf.for %scan3A_36 = %scan3A_31 to %scan3A_33 step %scan3A_34  : i32 {
      %mul3A = arith.constant 16 : i32
      %mul3A_37 = arith.muli %scan3A_36, %mul3A : i32
      %add3A = arith.addi %mul3A_37, %arg1 : i32
      %lt3A = arith.constant 125 : i32
      %lt3A_38 = arith.cmpi slt, %add3A, %lt3A : i32
      %convert_element_type3A = arith.extui %lt3A_38 : i1 to i32
      %cond3A = arith.constant 0 : i32
      %cond3A_39 = arith.cmpi ne, %convert_element_type3A, %cond3A : i32
      scf.if %cond3A_39 {
        %mul3A_40 = arith.constant 80 : i32
        %mul3A_41 = arith.muli %add3A, %mul3A_40 : i32
        %mul3A_42 = arith.constant 10000 : i32
        %mul3A_43 = arith.muli %arg0, %mul3A_42 : i32
        %mul3A_44 = arith.constant 80 : i32
        %mul3A_45 = arith.muli %add3A, %mul3A_44 : i32
        %add3A_46 = arith.addi %mul3A_43, %mul3A_45 : i32
        %dma_wait3A = arith.constant 0 : i32
        %dma_wait3A_47 = tpu.memref_slice %arg5[%add3A_46, %dma_wait3A] : memref<20000x128xf32, #tpu.memory_space<hbm>> -> memref<80x128xf32, #tpu.memory_space<hbm>>
        %dma_wait3A_48 = arith.constant 0 : i32
        %dma_wait3A_49 = tpu.memref_slice %arg6[%mul3A_41, %dma_wait3A_48] : memref<10000x128xf32, #tpu.memory_space<vmem_shared>> -> memref<80x128xf32, #tpu.memory_space<vmem_shared>>
        tpu.wait_dma2 semaphore(%arg11 : memref<!tpu.dma_semaphore, #tpu.memory_space<semaphore_mem>>) src(%dma_wait3A_49 : memref<80x128xf32, #tpu.memory_space<vmem_shared>>) dst(%dma_wait3A_47 : memref<80x128xf32, #tpu.memory_space<hbm>>)
      } else {
      }
    }
    %scan3A_35 = arith.constant 8 : i32
    return
  }
}

module attributes {stable_mosaic.version = 14 : i64} {
  func.func @_k1_body(%arg0: i32, %arg1: memref<1000x64xf32, #tpu.memory_space<vmem>>, %arg2: memref<64x256xf32, #tpu.memory_space<vmem>>, %arg3: memref<1x256xf32, #tpu.memory_space<vmem>>, %arg4: memref<256x256xf32, #tpu.memory_space<vmem>>, %arg5: memref<1x256xf32, #tpu.memory_space<vmem>>, %arg6: memref<256x256xf32, #tpu.memory_space<vmem>>, %arg7: memref<1x256xf32, #tpu.memory_space<vmem>>, %arg8: memref<256x256xf32, #tpu.memory_space<vmem>>, %arg9: memref<1x256xf32, #tpu.memory_space<vmem>>, %arg10: memref<2x1000x128xf32, #tpu.memory_space<vmem>>, %arg11: memref<1000x256xf32, #tpu.memory_space<vmem>>) attributes {dimension_semantics = [#tpu.dimension_semantics<arbitrary>], iteration_bounds = array<i64: 10>, scalar_prefetch = 0 : i64, scratch_operands = 0 : i64, tpu.core_type = #tpu.core_type<tc>, window_params = [{transform_indices = @transform_0, window_bounds = array<i64: 1000, 64>}, {pipeline_mode = #tpu.pipeline_mode<synchronous>, transform_indices = @transform_1, window_bounds = array<i64: 64, 256>}, {pipeline_mode = #tpu.pipeline_mode<synchronous>, transform_indices = @transform_2, window_bounds = array<i64: 1, 256>}, {pipeline_mode = #tpu.pipeline_mode<synchronous>, transform_indices = @transform_3, window_bounds = array<i64: 256, 256>}, {pipeline_mode = #tpu.pipeline_mode<synchronous>, transform_indices = @transform_4, window_bounds = array<i64: 1, 256>}, {pipeline_mode = #tpu.pipeline_mode<synchronous>, transform_indices = @transform_5, window_bounds = array<i64: 256, 256>}, {pipeline_mode = #tpu.pipeline_mode<synchronous>, transform_indices = @transform_6, window_bounds = array<i64: 1, 256>}, {pipeline_mode = #tpu.pipeline_mode<synchronous>, transform_indices = @transform_7, window_bounds = array<i64: 256, 256>}, {pipeline_mode = #tpu.pipeline_mode<synchronous>, transform_indices = @transform_8, window_bounds = array<i64: 1, 256>}, {transform_indices = @transform_9, window_bounds = array<i64: 2, 1000, 128>}, {transform_indices = @transform_10, window_bounds = array<i64: 1000, 256>}]} {
    %get3A = arith.constant 0 : index
    %get3A_0 = arith.constant 0 : index
    %get3A_1 = vector.load %arg1[%get3A, %get3A_0] : memref<1000x64xf32, #tpu.memory_space<vmem>>, vector<1000x64xf32>
    %get3A_2 = arith.constant 0 : index
    %get3A_3 = arith.constant 0 : index
    %get3A_4 = vector.load %arg2[%get3A_2, %get3A_3] : memref<64x256xf32, #tpu.memory_space<vmem>>, vector<64x256xf32>
    %dot_general3A = arith.constant dense<0.000000e+00> : vector<1000x256xf32>
    %dot_general3A_5 = tpu.matmul %get3A_1, %get3A_4, %dot_general3A {dimension_numbers = #tpu.dot_dimension_numbers<[1], [0], [0], [1], [0, 0, 1, 1], [], []>, transpose_lhs_hint = false} : vector<1000x64xf32>, vector<64x256xf32>, vector<1000x256xf32> -> vector<1000x256xf32>
    %get3A_6 = arith.constant 0 : index
    %get3A_7 = arith.constant 0 : index
    %get3A_8 = vector.load %arg3[%get3A_6, %get3A_7] : memref<1x256xf32, #tpu.memory_space<vmem>>, vector<1x256xf32>
    %add3A = vector.broadcast %get3A_8 : vector<1x256xf32> to vector<1000x256xf32>
    %add3A_9 = arith.addf %dot_general3A_5, %add3A : vector<1000x256xf32>
    %mul3A = arith.constant 0.999994993 : f32
    %mul3A_10 = vector.broadcast %mul3A : f32 to vector<1000x256xf32>
    %mul3A_11 = arith.mulf %add3A_9, %mul3A_10 : vector<1000x256xf32>
    %max3A = arith.constant 0.000000e+00 : f32
    %max3A_12 = vector.broadcast %max3A : f32 to vector<1000x256xf32>
    %max3A_13 = arith.maximumf %mul3A_11, %max3A_12 : vector<1000x256xf32>
    %get3A_14 = arith.constant 0 : index
    %get3A_15 = arith.constant 0 : index
    %get3A_16 = vector.load %arg4[%get3A_14, %get3A_15] : memref<256x256xf32, #tpu.memory_space<vmem>>, vector<256x256xf32>
    %dot_general3A_17 = arith.constant dense<0.000000e+00> : vector<1000x256xf32>
    %dot_general3A_18 = tpu.matmul %max3A_13, %get3A_16, %dot_general3A_17 {dimension_numbers = #tpu.dot_dimension_numbers<[1], [0], [0], [1], [0, 0, 1, 1], [], []>, transpose_lhs_hint = false} : vector<1000x256xf32>, vector<256x256xf32>, vector<1000x256xf32> -> vector<1000x256xf32>
    %get3A_19 = arith.constant 0 : index
    %get3A_20 = arith.constant 0 : index
    %get3A_21 = vector.load %arg5[%get3A_19, %get3A_20] : memref<1x256xf32, #tpu.memory_space<vmem>>, vector<1x256xf32>
    %add3A_22 = vector.broadcast %get3A_21 : vector<1x256xf32> to vector<1000x256xf32>
    %add3A_23 = arith.addf %dot_general3A_18, %add3A_22 : vector<1000x256xf32>
    %mul3A_24 = arith.constant 0.999994993 : f32
    %mul3A_25 = vector.broadcast %mul3A_24 : f32 to vector<1000x256xf32>
    %mul3A_26 = arith.mulf %add3A_23, %mul3A_25 : vector<1000x256xf32>
    %max3A_27 = arith.constant 0.000000e+00 : f32
    %max3A_28 = vector.broadcast %max3A_27 : f32 to vector<1000x256xf32>
    %max3A_29 = arith.maximumf %mul3A_26, %max3A_28 : vector<1000x256xf32>
    %get3A_30 = arith.constant 0 : index
    %get3A_31 = arith.constant 0 : index
    %get3A_32 = vector.load %arg6[%get3A_30, %get3A_31] : memref<256x256xf32, #tpu.memory_space<vmem>>, vector<256x256xf32>
    %dot_general3A_33 = arith.constant dense<0.000000e+00> : vector<1000x256xf32>
    %dot_general3A_34 = tpu.matmul %max3A_29, %get3A_32, %dot_general3A_33 {dimension_numbers = #tpu.dot_dimension_numbers<[1], [0], [0], [1], [0, 0, 1, 1], [], []>, transpose_lhs_hint = false} : vector<1000x256xf32>, vector<256x256xf32>, vector<1000x256xf32> -> vector<1000x256xf32>
    %get3A_35 = arith.constant 0 : index
    %get3A_36 = arith.constant 0 : index
    %get3A_37 = vector.load %arg7[%get3A_35, %get3A_36] : memref<1x256xf32, #tpu.memory_space<vmem>>, vector<1x256xf32>
    %add3A_38 = vector.broadcast %get3A_37 : vector<1x256xf32> to vector<1000x256xf32>
    %add3A_39 = arith.addf %dot_general3A_34, %add3A_38 : vector<1000x256xf32>
    %mul3A_40 = arith.constant 0.999994993 : f32
    %mul3A_41 = vector.broadcast %mul3A_40 : f32 to vector<1000x256xf32>
    %mul3A_42 = arith.mulf %add3A_39, %mul3A_41 : vector<1000x256xf32>
    %max3A_43 = arith.constant 0.000000e+00 : f32
    %max3A_44 = vector.broadcast %max3A_43 : f32 to vector<1000x256xf32>
    %max3A_45 = arith.maximumf %mul3A_42, %max3A_44 : vector<1000x256xf32>
    %get3A_46 = arith.constant 0 : index
    %get3A_47 = arith.constant 0 : index
    %get3A_48 = vector.load %arg8[%get3A_46, %get3A_47] : memref<256x256xf32, #tpu.memory_space<vmem>>, vector<256x256xf32>
    %dot_general3A_49 = arith.constant dense<0.000000e+00> : vector<1000x256xf32>
    %dot_general3A_50 = tpu.matmul %max3A_29, %get3A_48, %dot_general3A_49 {dimension_numbers = #tpu.dot_dimension_numbers<[1], [0], [0], [1], [0, 0, 1, 1], [], []>, transpose_lhs_hint = false} : vector<1000x256xf32>, vector<256x256xf32>, vector<1000x256xf32> -> vector<1000x256xf32>
    %get3A_51 = arith.constant 0 : index
    %get3A_52 = arith.constant 0 : index
    %get3A_53 = vector.load %arg9[%get3A_51, %get3A_52] : memref<1x256xf32, #tpu.memory_space<vmem>>, vector<1x256xf32>
    %add3A_54 = vector.broadcast %get3A_53 : vector<1x256xf32> to vector<1000x256xf32>
    %add3A_55 = arith.addf %dot_general3A_50, %add3A_54 : vector<1000x256xf32>
    %mul3A_56 = arith.constant 0.999994993 : f32
    %mul3A_57 = vector.broadcast %mul3A_56 : f32 to vector<1000x256xf32>
    %mul3A_58 = arith.mulf %add3A_55, %mul3A_57 : vector<1000x256xf32>
    %max3A_59 = arith.constant 0.000000e+00 : f32
    %max3A_60 = vector.broadcast %max3A_59 : f32 to vector<1000x256xf32>
    %max3A_61 = arith.maximumf %mul3A_58, %max3A_60 : vector<1000x256xf32>
    %swap3A = arith.constant 0 : index
    %swap3A_62 = arith.constant 0 : index
    %swap3A_63 = vector.load %arg11[%swap3A, %swap3A_62] : memref<1000x256xf32, #tpu.memory_space<vmem>>, vector<1000x256xf32>
    tpu.vector_store %arg11[%swap3A, %swap3A_62], %max3A_61 {strides = array<i32>} : memref<1000x256xf32, #tpu.memory_space<vmem>>, vector<1000x256xf32>,
    %slice3A = vector.extract_strided_slice %max3A_45 {offsets = [0, 0], sizes = [1000, 128], strides = [1, 1]} : vector<1000x256xf32> to vector<1000x128xf32>
    %swap3A_64 = arith.constant 0 : index
    %swap3A_65 = arith.constant 0 : index
    %swap3A_66 = arith.constant 0 : index
    %swap3A_67 = vector.load %arg10[%swap3A_64, %swap3A_65, %swap3A_66] : memref<2x1000x128xf32, #tpu.memory_space<vmem>>, vector<1x1000x128xf32>
    %swap3A_68 = vector.shape_cast %swap3A_67 : vector<1x1000x128xf32> to vector<1000x128xf32>
    %swap3A_69 = vector.shape_cast %slice3A : vector<1000x128xf32> to vector<1x1000x128xf32>
    tpu.vector_store %arg10[%swap3A_64, %swap3A_65, %swap3A_66], %swap3A_69 {strides = array<i32>} : memref<2x1000x128xf32, #tpu.memory_space<vmem>>, vector<1x1000x128xf32>,
    %slice3A_70 = vector.extract_strided_slice %max3A_45 {offsets = [0, 128], sizes = [1000, 128], strides = [1, 1]} : vector<1000x256xf32> to vector<1000x128xf32>
    %swap3A_71 = arith.constant 1 : index
    %swap3A_72 = arith.constant 0 : index
    %swap3A_73 = arith.constant 0 : index
    %swap3A_74 = vector.load %arg10[%swap3A_71, %swap3A_72, %swap3A_73] : memref<2x1000x128xf32, #tpu.memory_space<vmem>>, vector<1x1000x128xf32>
    %swap3A_75 = vector.shape_cast %swap3A_74 : vector<1x1000x128xf32> to vector<1000x128xf32>
    %swap3A_76 = vector.shape_cast %slice3A_70 : vector<1000x128xf32> to vector<1x1000x128xf32>
    tpu.vector_store %arg10[%swap3A_71, %swap3A_72, %swap3A_73], %swap3A_76 {strides = array<i32>} : memref<2x1000x128xf32, #tpu.memory_space<vmem>>, vector<1x1000x128xf32>,
    return
  }
  func.func @transform_0(%arg0: i32) -> (i32, i32) {
    %c0_i32 = arith.constant 0 : i32
    %c0_i32_0 = arith.constant 0 : i32
    return %arg0, %c0_i32 : i32, i32
  }
  func.func @transform_1(%arg0: i32) -> (i32, i32) {
    %c0_i32 = arith.constant 0 : i32
    %c0_i32_0 = arith.constant 0 : i32
    %c0_i32_1 = arith.constant 0 : i32
    return %c0_i32, %c0_i32_0 : i32, i32
  }
  func.func @transform_2(%arg0: i32) -> (i32, i32) {
    %c0_i32 = arith.constant 0 : i32
    %c0_i32_0 = arith.constant 0 : i32
    %c0_i32_1 = arith.constant 0 : i32
    return %c0_i32, %c0_i32_0 : i32, i32
  }
  func.func @transform_3(%arg0: i32) -> (i32, i32) {
    %c0_i32 = arith.constant 0 : i32
    %c0_i32_0 = arith.constant 0 : i32
    %c0_i32_1 = arith.constant 0 : i32
    return %c0_i32, %c0_i32_0 : i32, i32
  }
  func.func @transform_4(%arg0: i32) -> (i32, i32) {
    %c0_i32 = arith.constant 0 : i32
    %c0_i32_0 = arith.constant 0 : i32
    %c0_i32_1 = arith.constant 0 : i32
    return %c0_i32, %c0_i32_0 : i32, i32
  }
  func.func @transform_5(%arg0: i32) -> (i32, i32) {
    %c0_i32 = arith.constant 0 : i32
    %c0_i32_0 = arith.constant 0 : i32
    %c0_i32_1 = arith.constant 0 : i32
    return %c0_i32, %c0_i32_0 : i32, i32
  }
  func.func @transform_6(%arg0: i32) -> (i32, i32) {
    %c0_i32 = arith.constant 0 : i32
    %c0_i32_0 = arith.constant 0 : i32
    %c0_i32_1 = arith.constant 0 : i32
    return %c0_i32, %c0_i32_0 : i32, i32
  }
  func.func @transform_7(%arg0: i32) -> (i32, i32) {
    %c0_i32 = arith.constant 0 : i32
    %c0_i32_0 = arith.constant 0 : i32
    %c0_i32_1 = arith.constant 0 : i32
    return %c0_i32, %c0_i32_0 : i32, i32
  }
  func.func @transform_8(%arg0: i32) -> (i32, i32) {
    %c0_i32 = arith.constant 0 : i32
    %c0_i32_0 = arith.constant 0 : i32
    %c0_i32_1 = arith.constant 0 : i32
    return %c0_i32, %c0_i32_0 : i32, i32
  }
  func.func @transform_9(%arg0: i32) -> (i32, i32, i32) {
    %c0_i32 = arith.constant 0 : i32
    %c0_i32_0 = arith.constant 0 : i32
    %c0_i32_1 = arith.constant 0 : i32
    return %c0_i32, %arg0, %c0_i32_0 : i32, i32, i32
  }
  func.func @transform_10(%arg0: i32) -> (i32, i32) {
    %c0_i32 = arith.constant 0 : i32
    %c0_i32_0 = arith.constant 0 : i32
    return %arg0, %c0_i32 : i32, i32
  }
}

module attributes {stable_mosaic.version = 14 : i64} {
  func.func @_k2_body(%arg0: i32, %arg1: memref<1000x256xf32, #tpu.memory_space<vmem>>, %arg2: memref<2x1000x128xf32, #tpu.memory_space<vmem>>, %arg3: memref<512x256xf32, #tpu.memory_space<vmem>>, %arg4: memref<1x256xf32, #tpu.memory_space<vmem>>, %arg5: memref<256x256xf32, #tpu.memory_space<vmem>>, %arg6: memref<1x256xf32, #tpu.memory_space<vmem>>, %arg7: memref<256x256xf32, #tpu.memory_space<vmem>>, %arg8: memref<1x256xf32, #tpu.memory_space<vmem>>, %arg9: memref<2x1000x128xf32, #tpu.memory_space<vmem>>, %arg10: memref<1000x256xf32, #tpu.memory_space<vmem>>) attributes {dimension_semantics = [#tpu.dimension_semantics<arbitrary>], iteration_bounds = array<i64: 10>, scalar_prefetch = 0 : i64, scratch_operands = 0 : i64, tpu.core_type = #tpu.core_type<tc>, window_params = [{transform_indices = @transform_0, window_bounds = array<i64: 1000, 256>}, {transform_indices = @transform_1, window_bounds = array<i64: 2, 1000, 128>}, {pipeline_mode = #tpu.pipeline_mode<synchronous>, transform_indices = @transform_2, window_bounds = array<i64: 512, 256>}, {pipeline_mode = #tpu.pipeline_mode<synchronous>, transform_indices = @transform_3, window_bounds = array<i64: 1, 256>}, {pipeline_mode = #tpu.pipeline_mode<synchronous>, transform_indices = @transform_4, window_bounds = array<i64: 256, 256>}, {pipeline_mode = #tpu.pipeline_mode<synchronous>, transform_indices = @transform_5, window_bounds = array<i64: 1, 256>}, {pipeline_mode = #tpu.pipeline_mode<synchronous>, transform_indices = @transform_6, window_bounds = array<i64: 256, 256>}, {pipeline_mode = #tpu.pipeline_mode<synchronous>, transform_indices = @transform_7, window_bounds = array<i64: 1, 256>}, {transform_indices = @transform_8, window_bounds = array<i64: 2, 1000, 128>}, {transform_indices = @transform_9, window_bounds = array<i64: 1000, 256>}]} {
    %get3A = arith.constant 0 : index
    %get3A_0 = arith.constant 0 : index
    %get3A_1 = vector.load %arg1[%get3A, %get3A_0] : memref<1000x256xf32, #tpu.memory_space<vmem>>, vector<1000x256xf32>
    %get3A_2 = arith.constant 0 : index
    %get3A_3 = arith.constant 0 : index
    %get3A_4 = vector.load %arg3[%get3A_2, %get3A_3] : memref<512x256xf32, #tpu.memory_space<vmem>>, vector<256x256xf32>
    %dot_general3A = arith.constant dense<0.000000e+00> : vector<1000x256xf32>
    %dot_general3A_5 = tpu.matmul %get3A_1, %get3A_4, %dot_general3A {dimension_numbers = #tpu.dot_dimension_numbers<[1], [0], [0], [1], [0, 0, 1, 1], [], []>, transpose_lhs_hint = false} : vector<1000x256xf32>, vector<256x256xf32>, vector<1000x256xf32> -> vector<1000x256xf32>
    %get3A_6 = arith.constant 0 : index
    %get3A_7 = arith.constant 0 : index
    %get3A_8 = arith.constant 0 : index
    %get3A_9 = vector.load %arg2[%get3A_6, %get3A_7, %get3A_8] : memref<2x1000x128xf32, #tpu.memory_space<vmem>>, vector<1x1000x128xf32>
    %get3A_10 = vector.shape_cast %get3A_9 : vector<1x1000x128xf32> to vector<1000x128xf32>
    %get3A_11 = arith.constant 256 : index
    %get3A_12 = arith.constant 0 : index
    %get3A_13 = vector.load %arg3[%get3A_11, %get3A_12] : memref<512x256xf32, #tpu.memory_space<vmem>>, vector<128x256xf32>
    %dot_general3A_14 = arith.constant dense<0.000000e+00> : vector<1000x256xf32>
    %dot_general3A_15 = tpu.matmul %get3A_10, %get3A_13, %dot_general3A_14 {dimension_numbers = #tpu.dot_dimension_numbers<[1], [0], [0], [1], [0, 0, 1, 1], [], []>, transpose_lhs_hint = false} : vector<1000x128xf32>, vector<128x256xf32>, vector<1000x256xf32> -> vector<1000x256xf32>
    %add3A = arith.addf %dot_general3A_5, %dot_general3A_15 : vector<1000x256xf32>
    %get3A_16 = arith.constant 1 : index
    %get3A_17 = arith.constant 0 : index
    %get3A_18 = arith.constant 0 : index
    %get3A_19 = vector.load %arg2[%get3A_16, %get3A_17, %get3A_18] : memref<2x1000x128xf32, #tpu.memory_space<vmem>>, vector<1x1000x128xf32>
    %get3A_20 = vector.shape_cast %get3A_19 : vector<1x1000x128xf32> to vector<1000x128xf32>
    %get3A_21 = arith.constant 384 : index
    %get3A_22 = arith.constant 0 : index
    %get3A_23 = vector.load %arg3[%get3A_21, %get3A_22] : memref<512x256xf32, #tpu.memory_space<vmem>>, vector<128x256xf32>
    %dot_general3A_24 = arith.constant dense<0.000000e+00> : vector<1000x256xf32>
    %dot_general3A_25 = tpu.matmul %get3A_20, %get3A_23, %dot_general3A_24 {dimension_numbers = #tpu.dot_dimension_numbers<[1], [0], [0], [1], [0, 0, 1, 1], [], []>, transpose_lhs_hint = false} : vector<1000x128xf32>, vector<128x256xf32>, vector<1000x256xf32> -> vector<1000x256xf32>
    %add3A_26 = arith.addf %add3A, %dot_general3A_25 : vector<1000x256xf32>
    %get3A_27 = arith.constant 0 : index
    %get3A_28 = arith.constant 0 : index
    %get3A_29 = vector.load %arg4[%get3A_27, %get3A_28] : memref<1x256xf32, #tpu.memory_space<vmem>>, vector<1x256xf32>
    %add3A_30 = vector.broadcast %get3A_29 : vector<1x256xf32> to vector<1000x256xf32>
    %add3A_31 = arith.addf %add3A_26, %add3A_30 : vector<1000x256xf32>
    %mul3A = arith.constant 0.999994993 : f32
    %mul3A_32 = vector.broadcast %mul3A : f32 to vector<1000x256xf32>
    %mul3A_33 = arith.mulf %add3A_31, %mul3A_32 : vector<1000x256xf32>
    %max3A = arith.constant 0.000000e+00 : f32
    %max3A_34 = vector.broadcast %max3A : f32 to vector<1000x256xf32>
    %max3A_35 = arith.maximumf %mul3A_33, %max3A_34 : vector<1000x256xf32>
    %get3A_36 = arith.constant 0 : index
    %get3A_37 = arith.constant 0 : index
    %get3A_38 = vector.load %arg5[%get3A_36, %get3A_37] : memref<256x256xf32, #tpu.memory_space<vmem>>, vector<256x256xf32>
    %dot_general3A_39 = arith.constant dense<0.000000e+00> : vector<1000x256xf32>
    %dot_general3A_40 = tpu.matmul %max3A_35, %get3A_38, %dot_general3A_39 {dimension_numbers = #tpu.dot_dimension_numbers<[1], [0], [0], [1], [0, 0, 1, 1], [], []>, transpose_lhs_hint = false} : vector<1000x256xf32>, vector<256x256xf32>, vector<1000x256xf32> -> vector<1000x256xf32>
    %get3A_41 = arith.constant 0 : index
    %get3A_42 = arith.constant 0 : index
    %get3A_43 = vector.load %arg6[%get3A_41, %get3A_42] : memref<1x256xf32, #tpu.memory_space<vmem>>, vector<1x256xf32>
    %add3A_44 = vector.broadcast %get3A_43 : vector<1x256xf32> to vector<1000x256xf32>
    %add3A_45 = arith.addf %dot_general3A_40, %add3A_44 : vector<1000x256xf32>
    %mul3A_46 = arith.constant 0.999994993 : f32
    %mul3A_47 = vector.broadcast %mul3A_46 : f32 to vector<1000x256xf32>
    %mul3A_48 = arith.mulf %add3A_45, %mul3A_47 : vector<1000x256xf32>
    %max3A_49 = arith.constant 0.000000e+00 : f32
    %max3A_50 = vector.broadcast %max3A_49 : f32 to vector<1000x256xf32>
    %max3A_51 = arith.maximumf %mul3A_48, %max3A_50 : vector<1000x256xf32>
    %get3A_52 = arith.constant 0 : index
    %get3A_53 = arith.constant 0 : index
    %get3A_54 = vector.load %arg7[%get3A_52, %get3A_53] : memref<256x256xf32, #tpu.memory_space<vmem>>, vector<256x256xf32>
    %dot_general3A_55 = arith.constant dense<0.000000e+00> : vector<1000x256xf32>
    %dot_general3A_56 = tpu.matmul %max3A_35, %get3A_54, %dot_general3A_55 {dimension_numbers = #tpu.dot_dimension_numbers<[1], [0], [0], [1], [0, 0, 1, 1], [], []>, transpose_lhs_hint = false} : vector<1000x256xf32>, vector<256x256xf32>, vector<1000x256xf32> -> vector<1000x256xf32>
    %get3A_57 = arith.constant 0 : index
    %get3A_58 = arith.constant 0 : index
    %get3A_59 = vector.load %arg8[%get3A_57, %get3A_58] : memref<1x256xf32, #tpu.memory_space<vmem>>, vector<1x256xf32>
    %add3A_60 = vector.broadcast %get3A_59 : vector<1x256xf32> to vector<1000x256xf32>
    %add3A_61 = arith.addf %dot_general3A_56, %add3A_60 : vector<1000x256xf32>
    %mul3A_62 = arith.constant 0.999994993 : f32
    %mul3A_63 = vector.broadcast %mul3A_62 : f32 to vector<1000x256xf32>
    %mul3A_64 = arith.mulf %add3A_61, %mul3A_63 : vector<1000x256xf32>
    %max3A_65 = arith.constant 0.000000e+00 : f32
    %max3A_66 = vector.broadcast %max3A_65 : f32 to vector<1000x256xf32>
    %max3A_67 = arith.maximumf %mul3A_64, %max3A_66 : vector<1000x256xf32>
    %swap3A = arith.constant 0 : index
    %swap3A_68 = arith.constant 0 : index
    %swap3A_69 = vector.load %arg10[%swap3A, %swap3A_68] : memref<1000x256xf32, #tpu.memory_space<vmem>>, vector<1000x256xf32>
    tpu.vector_store %arg10[%swap3A, %swap3A_68], %max3A_67 {strides = array<i32>} : memref<1000x256xf32, #tpu.memory_space<vmem>>, vector<1000x256xf32>,
    %slice3A = vector.extract_strided_slice %max3A_51 {offsets = [0, 0], sizes = [1000, 128], strides = [1, 1]} : vector<1000x256xf32> to vector<1000x128xf32>
    %swap3A_70 = arith.constant 0 : index
    %swap3A_71 = arith.constant 0 : index
    %swap3A_72 = arith.constant 0 : index
    %swap3A_73 = vector.load %arg9[%swap3A_70, %swap3A_71, %swap3A_72] : memref<2x1000x128xf32, #tpu.memory_space<vmem>>, vector<1x1000x128xf32>
    %swap3A_74 = vector.shape_cast %swap3A_73 : vector<1x1000x128xf32> to vector<1000x128xf32>
    %swap3A_75 = vector.shape_cast %slice3A : vector<1000x128xf32> to vector<1x1000x128xf32>
    tpu.vector_store %arg9[%swap3A_70, %swap3A_71, %swap3A_72], %swap3A_75 {strides = array<i32>} : memref<2x1000x128xf32, #tpu.memory_space<vmem>>, vector<1x1000x128xf32>,
    %slice3A_76 = vector.extract_strided_slice %max3A_51 {offsets = [0, 128], sizes = [1000, 128], strides = [1, 1]} : vector<1000x256xf32> to vector<1000x128xf32>
    %swap3A_77 = arith.constant 1 : index
    %swap3A_78 = arith.constant 0 : index
    %swap3A_79 = arith.constant 0 : index
    %swap3A_80 = vector.load %arg9[%swap3A_77, %swap3A_78, %swap3A_79] : memref<2x1000x128xf32, #tpu.memory_space<vmem>>, vector<1x1000x128xf32>
    %swap3A_81 = vector.shape_cast %swap3A_80 : vector<1x1000x128xf32> to vector<1000x128xf32>
    %swap3A_82 = vector.shape_cast %slice3A_76 : vector<1000x128xf32> to vector<1x1000x128xf32>
    tpu.vector_store %arg9[%swap3A_77, %swap3A_78, %swap3A_79], %swap3A_82 {strides = array<i32>} : memref<2x1000x128xf32, #tpu.memory_space<vmem>>, vector<1x1000x128xf32>,
    return
  }
  func.func @transform_0(%arg0: i32) -> (i32, i32) {
    %c0_i32 = arith.constant 0 : i32
    %c0_i32_0 = arith.constant 0 : i32
    return %arg0, %c0_i32 : i32, i32
  }
  func.func @transform_1(%arg0: i32) -> (i32, i32, i32) {
    %c0_i32 = arith.constant 0 : i32
    %c0_i32_0 = arith.constant 0 : i32
    %c0_i32_1 = arith.constant 0 : i32
    return %c0_i32, %arg0, %c0_i32_0 : i32, i32, i32
  }
  func.func @transform_2(%arg0: i32) -> (i32, i32) {
    %c0_i32 = arith.constant 0 : i32
    %c0_i32_0 = arith.constant 0 : i32
    %c0_i32_1 = arith.constant 0 : i32
    return %c0_i32, %c0_i32_0 : i32, i32
  }
  func.func @transform_3(%arg0: i32) -> (i32, i32) {
    %c0_i32 = arith.constant 0 : i32
    %c0_i32_0 = arith.constant 0 : i32
    %c0_i32_1 = arith.constant 0 : i32
    return %c0_i32, %c0_i32_0 : i32, i32
  }
  func.func @transform_4(%arg0: i32) -> (i32, i32) {
    %c0_i32 = arith.constant 0 : i32
    %c0_i32_0 = arith.constant 0 : i32
    %c0_i32_1 = arith.constant 0 : i32
    return %c0_i32, %c0_i32_0 : i32, i32
  }
  func.func @transform_5(%arg0: i32) -> (i32, i32) {
    %c0_i32 = arith.constant 0 : i32
    %c0_i32_0 = arith.constant 0 : i32
    %c0_i32_1 = arith.constant 0 : i32
    return %c0_i32, %c0_i32_0 : i32, i32
  }
  func.func @transform_6(%arg0: i32) -> (i32, i32) {
    %c0_i32 = arith.constant 0 : i32
    %c0_i32_0 = arith.constant 0 : i32
    %c0_i32_1 = arith.constant 0 : i32
    return %c0_i32, %c0_i32_0 : i32, i32
  }
  func.func @transform_7(%arg0: i32) -> (i32, i32) {
    %c0_i32 = arith.constant 0 : i32
    %c0_i32_0 = arith.constant 0 : i32
    %c0_i32_1 = arith.constant 0 : i32
    return %c0_i32, %c0_i32_0 : i32, i32
  }
  func.func @transform_8(%arg0: i32) -> (i32, i32, i32) {
    %c0_i32 = arith.constant 0 : i32
    %c0_i32_0 = arith.constant 0 : i32
    %c0_i32_1 = arith.constant 0 : i32
    return %c0_i32, %arg0, %c0_i32_0 : i32, i32, i32
  }
  func.func @transform_9(%arg0: i32) -> (i32, i32) {
    %c0_i32 = arith.constant 0 : i32
    %c0_i32_0 = arith.constant 0 : i32
    return %arg0, %c0_i32 : i32, i32
  }
}

module attributes {stable_mosaic.version = 14 : i64} {
  func.func @_k3_body(%arg0: i32, %arg1: memref<1000x256xf32, #tpu.memory_space<vmem>>, %arg2: memref<2x1000x128xf32, #tpu.memory_space<vmem>>, %arg3: memref<512x256xf32, #tpu.memory_space<vmem>>, %arg4: memref<1x256xf32, #tpu.memory_space<vmem>>, %arg5: memref<256x2xf32, #tpu.memory_space<vmem>>, %arg6: memref<1x2xf32, #tpu.memory_space<vmem>>, %arg7: memref<1000x2xf32, #tpu.memory_space<vmem>>) attributes {dimension_semantics = [#tpu.dimension_semantics<arbitrary>], iteration_bounds = array<i64: 10>, scalar_prefetch = 0 : i64, scratch_operands = 0 : i64, tpu.core_type = #tpu.core_type<tc>, window_params = [{transform_indices = @transform_0, window_bounds = array<i64: 1000, 256>}, {transform_indices = @transform_1, window_bounds = array<i64: 2, 1000, 128>}, {pipeline_mode = #tpu.pipeline_mode<synchronous>, transform_indices = @transform_2, window_bounds = array<i64: 512, 256>}, {pipeline_mode = #tpu.pipeline_mode<synchronous>, transform_indices = @transform_3, window_bounds = array<i64: 1, 256>}, {pipeline_mode = #tpu.pipeline_mode<synchronous>, transform_indices = @transform_4, window_bounds = array<i64: 256, 2>}, {pipeline_mode = #tpu.pipeline_mode<synchronous>, transform_indices = @transform_5, window_bounds = array<i64: 1, 2>}, {transform_indices = @transform_6, window_bounds = array<i64: 1000, 2>}]} {
    %get3A = arith.constant 0 : index
    %get3A_0 = arith.constant 0 : index
    %get3A_1 = vector.load %arg1[%get3A, %get3A_0] : memref<1000x256xf32, #tpu.memory_space<vmem>>, vector<1000x256xf32>
    %get3A_2 = arith.constant 0 : index
    %get3A_3 = arith.constant 0 : index
    %get3A_4 = vector.load %arg3[%get3A_2, %get3A_3] : memref<512x256xf32, #tpu.memory_space<vmem>>, vector<256x256xf32>
    %dot_general3A = arith.constant dense<0.000000e+00> : vector<1000x256xf32>
    %dot_general3A_5 = tpu.matmul %get3A_1, %get3A_4, %dot_general3A {dimension_numbers = #tpu.dot_dimension_numbers<[1], [0], [0], [1], [0, 0, 1, 1], [], []>, transpose_lhs_hint = false} : vector<1000x256xf32>, vector<256x256xf32>, vector<1000x256xf32> -> vector<1000x256xf32>
    %get3A_6 = arith.constant 0 : index
    %get3A_7 = arith.constant 0 : index
    %get3A_8 = arith.constant 0 : index
    %get3A_9 = vector.load %arg2[%get3A_6, %get3A_7, %get3A_8] : memref<2x1000x128xf32, #tpu.memory_space<vmem>>, vector<1x1000x128xf32>
    %get3A_10 = vector.shape_cast %get3A_9 : vector<1x1000x128xf32> to vector<1000x128xf32>
    %get3A_11 = arith.constant 256 : index
    %get3A_12 = arith.constant 0 : index
    %get3A_13 = vector.load %arg3[%get3A_11, %get3A_12] : memref<512x256xf32, #tpu.memory_space<vmem>>, vector<128x256xf32>
    %dot_general3A_14 = arith.constant dense<0.000000e+00> : vector<1000x256xf32>
    %dot_general3A_15 = tpu.matmul %get3A_10, %get3A_13, %dot_general3A_14 {dimension_numbers = #tpu.dot_dimension_numbers<[1], [0], [0], [1], [0, 0, 1, 1], [], []>, transpose_lhs_hint = false} : vector<1000x128xf32>, vector<128x256xf32>, vector<1000x256xf32> -> vector<1000x256xf32>
    %add3A = arith.addf %dot_general3A_5, %dot_general3A_15 : vector<1000x256xf32>
    %get3A_16 = arith.constant 1 : index
    %get3A_17 = arith.constant 0 : index
    %get3A_18 = arith.constant 0 : index
    %get3A_19 = vector.load %arg2[%get3A_16, %get3A_17, %get3A_18] : memref<2x1000x128xf32, #tpu.memory_space<vmem>>, vector<1x1000x128xf32>
    %get3A_20 = vector.shape_cast %get3A_19 : vector<1x1000x128xf32> to vector<1000x128xf32>
    %get3A_21 = arith.constant 384 : index
    %get3A_22 = arith.constant 0 : index
    %get3A_23 = vector.load %arg3[%get3A_21, %get3A_22] : memref<512x256xf32, #tpu.memory_space<vmem>>, vector<128x256xf32>
    %dot_general3A_24 = arith.constant dense<0.000000e+00> : vector<1000x256xf32>
    %dot_general3A_25 = tpu.matmul %get3A_20, %get3A_23, %dot_general3A_24 {dimension_numbers = #tpu.dot_dimension_numbers<[1], [0], [0], [1], [0, 0, 1, 1], [], []>, transpose_lhs_hint = false} : vector<1000x128xf32>, vector<128x256xf32>, vector<1000x256xf32> -> vector<1000x256xf32>
    %add3A_26 = arith.addf %add3A, %dot_general3A_25 : vector<1000x256xf32>
    %get3A_27 = arith.constant 0 : index
    %get3A_28 = arith.constant 0 : index
    %get3A_29 = vector.load %arg4[%get3A_27, %get3A_28] : memref<1x256xf32, #tpu.memory_space<vmem>>, vector<1x256xf32>
    %add3A_30 = vector.broadcast %get3A_29 : vector<1x256xf32> to vector<1000x256xf32>
    %add3A_31 = arith.addf %add3A_26, %add3A_30 : vector<1000x256xf32>
    %mul3A = arith.constant 0.999994993 : f32
    %mul3A_32 = vector.broadcast %mul3A : f32 to vector<1000x256xf32>
    %mul3A_33 = arith.mulf %add3A_31, %mul3A_32 : vector<1000x256xf32>
    %max3A = arith.constant 0.000000e+00 : f32
    %max3A_34 = vector.broadcast %max3A : f32 to vector<1000x256xf32>
    %max3A_35 = arith.maximumf %mul3A_33, %max3A_34 : vector<1000x256xf32>
    %get3A_36 = arith.constant 0 : index
    %get3A_37 = arith.constant 0 : index
    %get3A_38 = vector.load %arg5[%get3A_36, %get3A_37] : memref<256x2xf32, #tpu.memory_space<vmem>>, vector<256x2xf32>
    %dot_general3A_39 = arith.constant dense<0.000000e+00> : vector<1000x2xf32>
    %dot_general3A_40 = tpu.matmul %max3A_35, %get3A_38, %dot_general3A_39 {dimension_numbers = #tpu.dot_dimension_numbers<[1], [0], [0], [1], [0, 0, 1, 1], [], []>, transpose_lhs_hint = false} : vector<1000x256xf32>, vector<256x2xf32>, vector<1000x2xf32> -> vector<1000x2xf32>
    %get3A_41 = arith.constant 0 : index
    %get3A_42 = arith.constant 0 : index
    %get3A_43 = vector.load %arg6[%get3A_41, %get3A_42] : memref<1x2xf32, #tpu.memory_space<vmem>>, vector<1x2xf32>
    %add3A_44 = vector.broadcast %get3A_43 : vector<1x2xf32> to vector<1000x2xf32>
    %add3A_45 = arith.addf %dot_general3A_40, %add3A_44 : vector<1000x2xf32>
    %logistic3A = arith.negf %add3A_45 : vector<1000x2xf32>
    %logistic3A_46 = math.exp %logistic3A : vector<1000x2xf32>
    %logistic3A_47 = arith.constant 1.000000e+00 : f32
    %logistic3A_48 = vector.broadcast %logistic3A_47 : f32 to vector<1000x2xf32>
    %logistic3A_49 = arith.addf %logistic3A_48, %logistic3A_46 : vector<1000x2xf32>
    %logistic3A_50 = arith.divf %logistic3A_48, %logistic3A_49 : vector<1000x2xf32>
    %mul3A_51 = arith.constant 0.604599773 : f32
    %mul3A_52 = vector.broadcast %mul3A_51 : f32 to vector<1000x2xf32>
    %mul3A_53 = arith.mulf %logistic3A_50, %mul3A_52 : vector<1000x2xf32>
    %sub3A = arith.constant 0.302299887 : f32
    %sub3A_54 = vector.broadcast %sub3A : f32 to vector<1000x2xf32>
    %sub3A_55 = arith.subf %mul3A_53, %sub3A_54 : vector<1000x2xf32>
    %swap3A = arith.constant 0 : index
    %swap3A_56 = arith.constant 0 : index
    %swap3A_57 = vector.load %arg7[%swap3A, %swap3A_56] : memref<1000x2xf32, #tpu.memory_space<vmem>>, vector<1000x2xf32>
    tpu.vector_store %arg7[%swap3A, %swap3A_56], %sub3A_55 {strides = array<i32>} : memref<1000x2xf32, #tpu.memory_space<vmem>>, vector<1000x2xf32>,
    return
  }
  func.func @transform_0(%arg0: i32) -> (i32, i32) {
    %c0_i32 = arith.constant 0 : i32
    %c0_i32_0 = arith.constant 0 : i32
    return %arg0, %c0_i32 : i32, i32
  }
  func.func @transform_1(%arg0: i32) -> (i32, i32, i32) {
    %c0_i32 = arith.constant 0 : i32
    %c0_i32_0 = arith.constant 0 : i32
    %c0_i32_1 = arith.constant 0 : i32
    return %c0_i32, %arg0, %c0_i32_0 : i32, i32, i32
  }
  func.func @transform_2(%arg0: i32) -> (i32, i32) {
    %c0_i32 = arith.constant 0 : i32
    %c0_i32_0 = arith.constant 0 : i32
    %c0_i32_1 = arith.constant 0 : i32
    return %c0_i32, %c0_i32_0 : i32, i32
  }
  func.func @transform_3(%arg0: i32) -> (i32, i32) {
    %c0_i32 = arith.constant 0 : i32
    %c0_i32_0 = arith.constant 0 : i32
    %c0_i32_1 = arith.constant 0 : i32
    return %c0_i32, %c0_i32_0 : i32, i32
  }
  func.func @transform_4(%arg0: i32) -> (i32, i32) {
    %c0_i32 = arith.constant 0 : i32
    %c0_i32_0 = arith.constant 0 : i32
    %c0_i32_1 = arith.constant 0 : i32
    return %c0_i32, %c0_i32_0 : i32, i32
  }
  func.func @transform_5(%arg0: i32) -> (i32, i32) {
    %c0_i32 = arith.constant 0 : i32
    %c0_i32_0 = arith.constant 0 : i32
    %c0_i32_1 = arith.constant 0 : i32
    return %c0_i32, %c0_i32_0 : i32, i32
  }
  func.func @transform_6(%arg0: i32) -> (i32, i32) {
    %c0_i32 = arith.constant 0 : i32
    %c0_i32_0 = arith.constant 0 : i32
    return %arg0, %c0_i32 : i32, i32
  }
}

</mosaic_0001>

<sc_bundles>
// kernel: kernel.10.cloned.1.call-start
scs
__scs_entry_jumppad:
0x0: {  	(pc) =	sbr.rel $0x88, $3  }
0x1: {  	(tag) =	ssettag $0x0;
	lr =	simm.s32 $0x1  }
0x2: {  	[smem:$0x3F93] =	sst lr;
	_ =	strace $0xD0000000  }
0x3: {  	_ = 	snop  }
0x4: {  	_ = 	snop  }
0x5: {  	_ = 	snop  }
0x6: {  	_ = 	snop  }
0x7: {  	_ = 	snop  }
__scs_overlays_trampoline_lowered:
0x8: {  	[smem:$0x3FA2] =	sst s0  }
0x9: {  	[smem:$0x3FA3] =	sst s1  }
0xa: {  	[smem:$0x3FA4] =	sst s2  }
0xb: {  	[smem:$0x3FA5] =	sst s3  }
0xc: {  	[smem:$0x3FA6] =	sst s4  }
0xd: {  	[smem:$0x3FA7] =	sst s5  }
0xe: {  	[smem:$0x3FA8] =	sst s6  }
0xf: {  	[smem:$0x3FA9] =	sst s7  }
0x10: {  	[smem:$0x3FAA] =	sst s8  }
0x11: {  	[smem:$0x3FAB] =	sst s9;
	s0 =	simm.s32 @!p0 $0x0  }
0x12: {  	s1 =	sld [smem:$0x3F91];
	s0 =	simm.s32 @p0 $0x1  }
0x13: {  	[smem:$0x3FAC] =	sst s0;
	s0 =	simm.s32 @!p1 $0x0  }
0x14: {  	s2 =	sld [smem:$0x3F90];
	s0 =	simm.s32 @p1 $0x1  }
0x15: {  	[smem:$0x3FAD] =	sst s0;
	s0 =	simm.s32 @!p2 $0x0  }
0x16: {  	s3 =	sld [smem:$0x3FDB];
	s0 =	simm.s32 @p2 $0x1  }
0x17: {  	s4 =	simm.s32 $0x1BF5;
	[smem:$0x3FAF] =	sst s0  }
0x18: {  	s0 =	sld [smem:$0x3F92];
	_ =	swait.ge [sflag:s4], $0x0  }
0x19: {  	s7 =	sld [smem:$0x3F93]  }
0x1a: {  	s8 =	sadd.s32 $0xFFFFE003, lr  }
0x1b: {  	s9 =	sadd.s32 $0xFFFFFEF7, lr;
	s5 =	simm.s32 $0xFFFFFFFF;
	p2 =	slt.u32 s8, $0xFFFFF086  }
0x1c: {  	p1 =	slt.u32 s9, $0xF7A;
	s5 =	simm.s32 @!p2 $0x0  }
0x1d: {  	s5 =	simm.s32 @p1 $0x1;
	p0 =	seq.s32 s7, s2  }
0x1e: {  	s7 =	smul.u32 @!p0 $0xF7A, s2;
	p2 =	seq.s32 @!p0 s5, $0x0  }
0x1f: {  	s9 =	smul.u32 $0xF7A, s1;
	s8 =	simm.s32 @!p0 $0x1BF5;
	p2 =	por !p2, p0  }
0x20: {  	[sflag:s8] =	ssyncset.s32 @!p0 $0xFFFFF086;
	s6 =	sadd.s32 @!p0 s3, s7;
	s7 =	simm.s32 @!p0 $0x108  }
0x21: {  	s3 =	sadd.s32 s3, s9;
	s6 =	sadd.s32 @!p0 $0x88, s6;
	s7 =	simm.s32 @p2 $0x1082  }
0x22: {  	[simem:s7], [sflag:s8] =	dma.local @!p0 [hbm:s6], $0xF7A  }
0x23: {  	s9 =	sor.u32 $0xD0000000, s2;
	s6 =	simm.s32 $0x108;
	_ =	swait.ge @!p0 [sflag:s8], $0x0  }
0x24: {  	s3 =	sadd.s32 $0x88, s3;
	s6 =	simm.s32 @!p1 $0x1082;
	[sflag:s4] =	ssyncset.s32 $0xFFFFF086  }
0x25: {  	[simem:s6], [sflag:s4] =	dma.local [hbm:s3], $0xF7A  }
0x26: {  	[smem:$0x3F93] =	sst s1;
	(tag) =	ssettag s2;
	_ =	strace s9  }
0x27: {  	s1 =	sld [smem:$0x3FA3]  }
0x28: {  	s2 =	sld [smem:$0x3FA4]  }
0x29: {  	s4 =	sld [smem:$0x3FA6]  }
0x2a: {  	p0 =	seq.s32 s5, $0x0;
	s5 =	sld [smem:$0x3FA7]  }
0x2b: {  	s6 =	sld [smem:$0x3FA8]  }
0x2c: {  	s7 =	sld [smem:$0x3FA9]  }
0x2d: {  	s3 =	simm.s32 $0x108;
	s8 =	sld [smem:$0x3FAA]  }
0x2e: {  	s3 =	simm.s32 @!p0 $0x1082;
	s9 =	sld [smem:$0x3FAB]  }
0x2f: {  	lr =	sadd.s32 s0, s3;
	s0 =	sld [smem:$0x3FA2]  }
0x30: {  	s3 =	sld [smem:$0x3FA5]  }
0x31: {  	[smem:$0x3FAE] =	sst s10  }
0x32: {  	s10 =	sld [smem:$0x3FAC];
	_ =	sdelay $0x3  }
0x33: {  	p0 =	seq.s32 s10, $0x1;
	s10 =	sld [smem:$0x3FAE];
	_ =	sdelay $0x3  }
0x34: {  	[smem:$0x3FAE] =	sst s10  }
0x35: {  	s10 =	sld [smem:$0x3FAD];
	_ =	sdelay $0x3  }
0x36: {  	p1 =	seq.s32 s10, $0x1;
	s10 =	sld [smem:$0x3FAE];
	_ =	sdelay $0x3  }
0x37: {  	[smem:$0x3FAE] =	sst s10  }
0x38: {  	s10 =	sld [smem:$0x3FAF]  }
0x39: {  	_ = 	snop;
	(pc) =	sbr.ind lr, $3  }
0x3a: {  	_ = 	snop  }
0x3b: {  	_ = 	snop  }
0x3c: {  	p2 =	seq.s32 s10, $0x1;
	s10 =	sld [smem:$0x3FAE]  }
0x3d: {  	_ =	shalt  }
0x3e: {  	_ =	shalt  }
0x3f: {  	_ =	shalt  }
0x40: {  	_ =	shalt  }
0x41: {  	_ =	shalt  }
0x42: {  	_ =	shalt  }
0x43: {  	_ =	shalt  }
0x44: {  	_ =	shalt  }
0x45: {  	_ =	shalt  }
0x46: {  	_ =	shalt  }
0x47: {  	_ =	shalt  }
0x48: {  	_ =	shalt  }
0x49: {  	_ =	shalt  }
0x4a: {  	_ =	shalt  }
0x4b: {  	_ =	shalt  }
0x4c: {  	_ =	shalt  }
0x4d: {  	_ =	shalt  }
0x4e: {  	_ =	shalt  }
0x4f: {  	_ =	shalt  }
0x50: {  	_ =	shalt  }
0x51: {  	_ =	shalt  }
0x52: {  	_ =	shalt  }
0x53: {  	_ =	shalt  }
0x54: {  	_ =	shalt  }
0x55: {  	_ =	shalt  }
0x56: {  	_ =	shalt  }
0x57: {  	_ =	shalt  }
0x58: {  	_ =	shalt  }
0x59: {  	_ =	shalt  }
0x5a: {  	_ =	shalt  }
0x5b: {  	_ =	shalt  }
0x5c: {  	_ =	shalt  }
0x5d: {  	_ =	shalt  }
0x5e: {  	_ =	shalt  }
0x5f: {  	_ =	shalt  }
0x60: {  	_ =	shalt  }
0x61: {  	_ =	shalt  }
0x62: {  	_ =	shalt  }
0x63: {  	_ =	shalt  }
0x64: {  	_ =	shalt  }
0x65: {  	_ =	shalt  }
0x66: {  	_ =	shalt  }
0x67: {  	_ =	shalt  }
0x68: {  	_ =	shalt  }
0x69: {  	_ =	shalt  }
0x6a: {  	_ =	shalt  }
0x6b: {  	_ =	shalt  }
0x6c: {  	_ =	shalt  }
0x6d: {  	_ =	shalt  }
0x6e: {  	_ =	shalt  }
0x6f: {  	_ =	shalt  }
0x70: {  	_ =	shalt  }
0x71: {  	_ =	shalt  }
0x72: {  	_ =	shalt  }
0x73: {  	_ =	shalt  }
0x74: {  	_ =	shalt  }
0x75: {  	_ =	shalt  }
0x76: {  	_ =	shalt  }
0x77: {  	_ =	shalt  }
0x78: {  	_ =	shalt  }
0x79: {  	_ =	shalt  }
0x7a: {  	_ =	shalt  }
0x7b: {  	_ =	shalt  }
0x7c: {  	_ =	shalt  }
0x7d: {  	_ =	shalt  }
0x7e: {  	_ =	shalt  }
0x7f: {  	_ =	shalt  }
0x80: {  	_ =	shalt  }
0x81: {  	_ =	shalt  }
0x82: {  	_ =	shalt  }
0x83: {  	_ =	shalt  }
0x84: {  	_ =	shalt  }
0x85: {  	_ =	shalt  }
0x86: {  	_ =	shalt  }
0x87: {  	_ =	shalt  }
.Lfunc_end0:
.L_simem_size_0:
called_computation.1_lowered:
.L_overlay_start_0:
0x88: {  	s2 =	sld [smem:$0x3FD9]  }
0x89: {  	s3 =	sld [smem:$0x3FFE];
	_ =	sdelay $0x1  }
0x8a: {  	s1 =	srdreg.scid  }
0x8b: {  	s0 =	sand.u32 $0x1, s1  }
0x8c: {  	s16 =	sshll.u32 s0, $0xA;
	s2 =	sadd.s32 s3, s2  }
0x8d: {  	s2 =	sadd.s32 s2, s16  }
0x8e: {  	[smem:$0x3FBA] =	sst s2  }
0x8f: {  	_ = 	snop  }
0x90: {  	(tm) =	ssettm $0x1  }
0x91: {  	s17 =	sld [smem:$0x3FFB];
	_ =	sdelay $0x3  }
0x92: {  	_ =	strace s17  }
0x93: {  	s2 =	sld [smem:$0x3FFC];
	_ =	sdelay $0x3  }
0x94: {  	_ =	strace s2  }
0x95: {  	s2 =	sld [smem:$0x3FFD];
	_ =	sdelay $0x3  }
0x96: {  	_ =	strace s2  }
0x97: {  	_ =	strace $0x8FFFFFFF  }
0x98: {  	s18 =	sld [smem:$0x3FDB];
	_ =	sdelay $0x1  }
0x99: {  	s19 =	simm.s32 $_scs_section_size  }
0x9a: {  	s4 =	simm.s32 $_size__tile_overlayer_lowered;
	s5 =	simm.s32 $_tile_overlayer_lowered  }
0x9b: {  	s22 =	simm.s32 $0x1BFF;
	s21 =	sshll.u32 s5, $0x1;
	s2 =	sadd.s32 s19, s18  }
0x9c: {  	s6 =	simm.s32 $0x0;
	s20 =	sshll.u32 s4, $0x1;
	s4 =	sadd.s32 s21, s2  }
0x9d: {  	[timem:s6], [sflag:s22] =	dma.local [hbm:s4], s20  }
0x9e: {  	_ =	swait.ge [sflag:s22], s20  }
0x9f: {  	s3 =	ssub.s32 $0x0, s20;
	[sflag:s22] =	ssyncset.done $0x0  }
0xa0: {  	[sflag:s22] =	ssyncadd.s32 s3;
	_ =	sdelay $0x1  }
0xa1: {  	s23 =	simm.s32 $0x1B8B  }
0xa2: {  	_ =	swait.ge [sflag:s23], $0x1  }
0xa3: {  	[sflag:s23] =	ssyncset.done $0x0  }
0xa4: {  	s25 =	simm.s32 $0x1B8E;
	s24 =	sld [smem:$0x3FFE];
	[sflag:s23] =	ssyncadd.s32 $0xFFFFFFFF  }
0xa5: {  	s26 =	simm.s32 $execute0_lowered;
	[smem:$0x3FD2] =	sst s25  }
0xa6: {  	s4 =	sshll.u32 s26, $0x1;
	_ =	strace $0x80000049;
	[dreg:$0x1] =	wrdreg $0xFFFFFFFF  }
0xa7: {  	s28 =	simm.s32 $_size_execute0_lowered;
	s2 =	sadd.s32 s2, s4;
	[dreg:$0x0] =	wrdreg $0x0  }
0xa8: {  	s4 =	sshll.u32 s28, $0x1;
	[dreg:$0x2] =	wrdreg s2  }
0xa9: {  	[dreg:$0x3] =	wrdreg s4  }
0xaa: {  	[dreg:$0x4] =	wrdreg $0xC0  }
0xab: {  	_ =	task [dreg:s6], $0x5FFFF  }
0xac: {  	[dreg:$0x1] =	wrdreg $0xFFFFFFFF  }
0xad: {  	[dreg:$0x0] =	wrdreg $0x60  }
0xae: {  	[dreg:$0x2] =	wrdreg s24  }
0xaf: {  	[dreg:$0x3] =	wrdreg $0x0  }
0xb0: {  	[dreg:$0x4] =	wrdreg $0x9  }
0xb1: {  	_ =	task.clear_ibuf [dreg:s6], $0x5FFFF;
	_ =	strace $0x90000049  }
0xb2: {  	s29 =	simm.s32 $0x9;
	_ =	strace $0x8000004B  }
0xb3: {  	_ =	swait.ge [sflag:s29], $0x1  }
0xb4: {  	[sflag:s29] =	ssyncadd.s32 $0xFFFFFFFF  }
0xb5: {  	_ =	strace $0x9000004B  }
0xb6: {  	_ =	sfence  }
0xb7: {  	s30 =	sld [smem:$0x0];
	_ =	sdelay $0x2  }
0xb8: {  	s31 =	sshll.u32 s1, $0xD;
	s1 =	sshrl.u32 s1, $0x2  }
0xb9: {  	s3 =	sand.u32 $0x4000, s31;
	s1 =	sadd.s32 s1, s30  }
0xba: {  	s0 =	sor.u32 s3, s0;
	s1 =	sshll.u32 s1, $0x11  }
0xbb: {  	s0 =	sor.u32 s1, s0  }
0xbc: {  	s0 =	sadd.s32 $0x8F2B, s0  }
0xbd: {  	[sflag:s0] =	ssyncadd.remote.s32 $0x1  }
0xbe: {  	_ =	sfence.sel $0xFFFF  }
0xbf: {  	[dreg:$0x0] =	wrdreg $0xFFFFFFFF;
	(pc) =	sbr.abs _section_cstart, $3  }
0xc0: {  	[dreg:$0x1] =	wrdreg $0xFFFFFFFF  }
0xc1: {  	_ =	task.clear_ibuf [dreg:s6], $0x2FFFF;
	_ =	strace $0x9FFFFFFF  }
0xc2: {  	(tm) =	ssettm $0x7FFFFFFF  }
0xc3: {  	_ =	shalt  }
tec
execute0_lowered:
.L_overlay_start_1:
0x0: {  	(tag) =	ssettag $0x1  }
0x1: {  	s0 =	srdreg.scid;
	s1 =	rddreg [dreg:$0x0]  }
0x2: {  	s25 =	stileid.u32;
	s2 =	rddreg [dreg:$0x1]  }
0x3: {  	s6 =	simm.s32 $0x0;
	s0 =	sand.u32 $0x1, s0;
	s21 =	smul.u32 $0xA000, s25  }
0x4: {  	s28 =	simm.s32 $0x5;
	s4 =	sshrl.u32 s25, $0x3;
	s3 =	smul.u32 $0x27800, s0  }
0x5: {  	s29 =	simm.s32 $0x16000;
	s30 =	simm.s32 $0x1A000;
	s4 =	smul.u32 $0x13C00, s4  }
0x6: {  	s31 =	simm.s32 $0x1;
	s7 =	sor.u32 $0x10, s25;
	s18 =	smul.u32 $0x27100, s0  }
0x7: {  	s5 =	sshll.u32 s25, $0x7;
	s12 =	sor.u32 $0x20, s25;
	s22 =	smul.u32 $0xA000, s7  }
0x8: {  	[smem:$0x7FF] =	sst s6;
	s14 =	sor.u32 $0x30, s25;
	s23 =	smul.u32 $0xA000, s12  }
0x9: {  	s19 =	sshll.u32 s25, $0xB;
	s15 =	sor.u32 $0x40, s25;
	s10 =	smul.u32 $0xA000, s14  }
0xa: {  	s16 =	sor.u32 $0x50, s25;
	s24 =	sor.u32 $0x70, s25;
	s26 =	smul.u32 $0xA000, s15  }
0xb: {  	p1 =	sgt.u32 s25, $0xC;
	s17 =	sand.u32 $0x380, s5;
	s13 =	smul.u32 $0xA000, s16  }
0xc: {  	_ =	strace $0x8000004A;
	s6 =	sadd.s32 s19, s1;
	s19 =	smul.u32 $0x500, s25  }
0xd: {  	s0 =	ssub.s32 $0x2, s0;
	s16 =	smul.u32 $0x500, s16;
	p0 =	sgt.u32 s24, $0x7C  }
0xe: {  	s20 =	sshrl.u32 s0, $0x1;
	s6 =	sadd.s32 $0x2400, s6;
	s5 =	sshrl.u32 s21, $0x2  }
0xf: {  	s21 =	smul.u32 $0x500, s7;
	s3 =	sadd.s32 s3, s4;
	s4 =	sadd.s32 $0x14200, s1  }
0x10: {  	s0 =	ssub.s32 s0, s20;
	[dreg:$0x4] =	wrdreg s6;
	s8 =	sadd.s32 s5, s2  }
0x11: {  	s11 =	sshrl.u32 s23, $0x2;
	s20 =	sshrl.u32 s10, $0x2;
	s23 =	smul.u32 $0x500, s12  }
0x12: {  	s3 =	sor.u32 s17, s3;
	s0 =	smax.u32 s0, $0x1;
	s17 =	sor.u32 $0x60, s25  }
0x13: {  	s10 =	sadd.s32 s11, s2;
	s11 =	sadd.s32 s20, s2;
	s20 =	smul.u32 $0x500, s15  }
0x14: {  	s25 =	simm.s32 $0x3;
	s3 =	sshrl.u32 s3, $0x3;
	[dreg:$0x5] =	wrdreg s0  }
0x15: {  	s0 =	sshrl.u32 s26, $0x2;
	s26 =	smul.u32 $0x500, s14;
	s3 =	sadd.s32 s3, s1  }
0x16: {  	s1 =	sadd.s32 s18, s1;
	s18 =	smul.u32 $0xA000, s17;
	s3 =	sadd.s32 $0xA400, s3  }
0x17: {  	s12 =	sadd.s32 s0, s2;
	s1 =	sadd.s32 $0x62400, s1;
	[dreg:$0x3] =	wrdreg s3  }
0x18: {  	s3 =	sshrl.u32 s22, $0x2;
	s22 =	sshrl.u32 s13, $0x2;
	s14 =	sshrl.u32 s18, $0x2  }
0x19: {  	s18 =	sadd.s32 s1, s19;
	s5 =	sadd.s32 s1, s21;
	s19 =	smul.u32 $0x500, s17  }
0x1a: {  	s0 =	sadd.s32 s1, s26;
	s26 =	sadd.s32 s1, s20;
	[dreg:$0x6] =	wrdreg s18  }
0x1b: {  	s21 =	sadd.s32 s1, s16;
	s9 =	sadd.s32 s3, s2;
	[dreg:$0x7] =	wrdreg s5  }
0x1c: {  	s3 =	smul.u32 $0xA000, s24;
	s13 =	sadd.s32 s22, s2;
	[dreg:$0x9] =	wrdreg s0  }
0x1d: {  	s22 =	sadd.s32 s1, s23;
	s23 =	smul.u32 $0x500, s24;
	[dreg:$0xa] =	wrdreg s26  }
0x1e: {  	s14 =	sadd.s32 s14, s2;
	s26 =	simm.s32 $0x13880;
	[dreg:$0x8] =	wrdreg s22  }
0x1f: {  	s22 =	sadd.s32 s1, s19;
	s3 =	sshrl.u32 s3, $0x2;
	s23 =	sadd.s32 s1, s23  }
0x20: {  	v0 =	vimm.f32 $0.0e+00;
	s1 =	simm.s32 $0x50;
	s15 =	sadd.s32 s3, s2;
	s3 =	simm.s32 $0x0  }
.LBB2_1:
0x21: {  	s0 =	rddreg [dreg:$0x3];
	s5 =	simm.s32 $0x80;
	s6 =	simm.s32 $0x400  }
0x22: {  	[tilespmem:s26], [sflag:$0x5] =	stream.strided.gather [hbm4b:s0+s5], $0x2780, s6, s5, $0x38;
	[tilespmem:$0x1F000] =	vst v63  }
0x23: {  	_ =	swait.ge [sflag:s28], $0x2780  }
0x24: {  	[sflag:s28] =	ssyncset.done $0x0  }
0x25: {  	s20 =	simm.s32 $0x0;
	s24 =	rddreg [dreg:$0x4];
	[sflag:s28] =	ssyncadd.s32 $0xFFFFD880  }
0x26: {  	[tilespmem:s29], [sflag:$0x5] =	stream.linear.gather [hbm4b:s24+s20], $0x3E80, $0x38;
	[tilespmem:$0x1F000] =	vst v63  }
0x27: {  	_ =	swait.ge [sflag:s28], $0x3E80  }
0x28: {  	[sflag:s28] =	ssyncset.done $0x0  }
0x29: {  	s0 =	simm.s32 $0x0;
	s5 =	simm.s32 $0x200;
	[sflag:s28] =	ssyncadd.s32 $0xFFFFC180  }
.LBB2_2:
0x2a: {  	p2 =	sne.s32 s5, $0x9E00;
	[tilespmem:s0+$0x1A070] =	vst v0  }
0x2b: {  	[tilespmem:s0+$0x1A000] =	vst v0  }
0x2c: {  	[tilespmem:s0+$0x1A010] =	vst v0  }
.Ltmp0:
0x2d: {  	[tilespmem:s0+$0x1A020] =	vst v0;
	(pc) =	sbr.rel @p2 .LBB2_2-.Ltmp0, $4  }
0x2e: {  	[tilespmem:s0+$0x1A030] =	vst v0  }
0x2f: {  	[tilespmem:s0+$0x1A040] =	vst v0  }
0x30: {  	[tilespmem:s0+$0x1A050] =	vst v0  }
0x31: {  	[tilespmem:s0+$0x1A060] =	vst v0;
	s0 =	sshra.s32 s5, $0x2;
	s5 =	sadd.s32 $0x200, s5  }
0x32: {  	[tilespmem:s0+$0x1A070] =	vst v0  }
0x33: {  	[tilespmem:s0+$0x1A000] =	vst v0  }
0x34: {  	[tilespmem:s0+$0x1A010] =	vst v0  }
0x35: {  	[tilespmem:s0+$0x1A020] =	vst v0  }
0x36: {  	[tilespmem:s0+$0x1A030] =	vst v0  }
0x37: {  	[tilespmem:s0+$0x1A040] =	vst v0  }
0x38: {  	[tilespmem:s0+$0x1A050] =	vst v0  }
0x39: {  	[tilespmem:s0+$0x1A060] =	vst v0  }
0x3a: {  	[spmem:s8] =	stream.linear.scatter [tilespmem:s30], [sflag:$0x1], $0x2800, $0x38;
	[tilespmem:$0x1F000] =	vst v63  }
0x3b: {  	_ = 	snop  }
0x3c: {  	[spmem:s9] =	stream.linear.scatter [tilespmem:s30], [sflag:$0x1], $0x2800, $0x38;
	[tilespmem:$0x1F000] =	vst v63  }
0x3d: {  	_ = 	snop  }
0x3e: {  	[spmem:s10] =	stream.linear.scatter [tilespmem:s30], [sflag:$0x1], $0x2800, $0x38;
	[tilespmem:$0x1F000] =	vst v63  }
0x3f: {  	_ = 	snop  }
0x40: {  	[spmem:s11] =	stream.linear.scatter [tilespmem:s30], [sflag:$0x1], $0x2800, $0x38;
	[tilespmem:$0x1F000] =	vst v63  }
0x41: {  	_ = 	snop  }
0x42: {  	[spmem:s12] =	stream.linear.scatter [tilespmem:s30], [sflag:$0x1], $0x2800, $0x38;
	[tilespmem:$0x1F000] =	vst v63  }
0x43: {  	_ = 	snop  }
0x44: {  	[spmem:s13] =	stream.linear.scatter [tilespmem:s30], [sflag:$0x1], $0x2800, $0x38;
	[tilespmem:$0x1F000] =	vst v63  }
0x45: {  	_ = 	snop  }
0x46: {  	[spmem:s14] =	stream.linear.scatter [tilespmem:s30], [sflag:$0x1], $0x2800, $0x38;
	[tilespmem:$0x1F000] =	vst v63  }
0x47: {  	s0 =	simm.s32 @!p0 $0x1A000  }
0x48: {  	[spmem:s15] =	stream.linear.scatter @!p0 [tilespmem:s0], [sflag:$0x1], $0x2800, $0x38;
	[tilespmem:$0x1F000] =	vst v63  }
0x49: {  	_ =	swait.ge [sflag:s31], $0x2800  }
0x4a: {  	[sflag:s31] =	ssyncset.done $0x0  }
0x4b: {  	[sflag:s31] =	ssyncadd.s32 $0xFFFFD800  }
0x4c: {  	_ =	swait.ge [sflag:s31], $0x2800  }
0x4d: {  	[sflag:s31] =	ssyncset.done $0x0  }
0x4e: {  	[sflag:s31] =	ssyncadd.s32 $0xFFFFD800  }
0x4f: {  	_ =	swait.ge [sflag:s31], $0x2800  }
0x50: {  	[sflag:s31] =	ssyncset.done $0x0  }
0x51: {  	[sflag:s31] =	ssyncadd.s32 $0xFFFFD800  }
0x52: {  	_ =	swait.ge [sflag:s31], $0x2800  }
0x53: {  	[sflag:s31] =	ssyncset.done $0x0  }
0x54: {  	[sflag:s31] =	ssyncadd.s32 $0xFFFFD800  }
0x55: {  	_ =	swait.ge [sflag:s31], $0x2800  }
0x56: {  	[sflag:s31] =	ssyncset.done $0x0  }
0x57: {  	[sflag:s31] =	ssyncadd.s32 $0xFFFFD800  }
0x58: {  	_ =	swait.ge [sflag:s31], $0x2800  }
0x59: {  	[sflag:s31] =	ssyncset.done $0x0  }
0x5a: {  	[sflag:s31] =	ssyncadd.s32 $0xFFFFD800  }
0x5b: {  	_ =	swait.ge [sflag:s31], $0x2800  }
0x5c: {  	[sflag:s31] =	ssyncset.done $0x0  }
0x5d: {  	s0 =	simm.s32 @!p1 $0x1;
	[sflag:s31] =	ssyncadd.s32 $0xFFFFD800  }
0x5e: {  	_ =	swait.ge @!p1 [sflag:s0], $0x2800  }
0x5f: {  	[sflag:s0] =	ssyncset.done @!p1 $0x0  }
0x60: {  	[sflag:s0] =	ssyncadd.s32 @!p1 $0xFFFFD800  }
0x61: {  	[bflag:$0x0] =	sbarrier.arrive $0xFFFF  }
0x62: {  	[tilespmem:s30], [sflag:$0x1] =	stream.indirect.gather [hbm4b:s4+s1], $0x80, s26, s1, $0xb8;
	[tilespmem:$0x1F000] =	vst v63  }
0x63: {  	s24 =	simm.s32 $0x138D0;
	s5 =	simm.s32 $0x1C800  }
0x64: {  	[tilespmem:s5], [sflag:$0x2] =	stream.indirect.gather [hbm4b:s4+s1], $0x80, s24, s1, $0xb8;
	[tilespmem:$0x1F000] =	vst v63  }
0x65: {  	_ =	swait.ge [sflag:s31], $0x2800  }
0x66: {  	[sflag:s31] =	ssyncset.done $0x0  }
0x67: {  	[sflag:s31] =	ssyncadd.s32 $0xFFFFD800  }
0x68: {  	[spmem:s2] =	stream.indirect.scatter.add.f32 [tilespmem:s30], [sflag:$0x3], $0x80, s29, s1, $0xb8;
	[tilespmem:$0x1F000] =	vst v63  }
0x69: {  	p2 =	por $0x0, $0x0;
	_ =	swait.ge [sflag:s25], $0x2800  }
0x6a: {  	s6 =	simm.s32 @!p2 $0x2;
	s0 =	simm.s32 @!p2 $0x50;
	[sflag:s25] =	ssyncset.done $0x0  }
0x6b: {  	s24 =	simm.s32 $0x13920;
	s5 =	simm.s32 @!p2 $0x1A000;
	[sflag:s25] =	ssyncadd.s32 $0xFFFFD800  }
0x6c: {  	[tilespmem:s5], [sflag:$0x1] =	stream.indirect.gather @!p2 [hbm4b:s4+s0], $0x80, s24, s0, $0xb8;
	[tilespmem:$0x1F000] =	vst v63  }
0x6d: {  	p3 =	por $0x0, $0x0;
	_ =	swait.ge @!p2 [sflag:s6], $0x2800  }
0x6e: {  	s7 =	simm.s32 @!p2 $0x16080;
	s16 =	simm.s32 @!p2 $0x1C800;
	[sflag:s6] =	ssyncset.done @!p2 $0x0  }
0x6f: {  	p4 =	por @!p3 $0x0, $0x0;
	[sflag:s6] =	ssyncadd.s32 @!p2 $0xFFFFD800;
	s6 =	simm.s32 @!p3 $0x4  }
0x70: {  	[spmem:s2] =	stream.indirect.scatter.add.f32 @!p2 [tilespmem:s16], [sflag:$0x4], $0x80, s7, s0, $0xb8;
	[tilespmem:$0x1F000] =	vst v63  }
0x71: {  	p4 =	por p4, p3;
	_ =	swait.ge @!p3 [sflag:s6], $0x2800  }
0x72: {  	s17 =	simm.s32 @!p2 $0x1;
	s7 =	simm.s32 @!p4 $0x13970;
	[sflag:s6] =	ssyncset.done @!p3 $0x0  }
0x73: {  	s16 =	simm.s32 @!p4 $0x1C800;
	[sflag:s6] =	ssyncadd.s32 @!p3 $0xFFFFD800;
	s6 =	simm.s32 @!p4 $0x50  }
0x74: {  	[tilespmem:s16], [sflag:$0x2] =	stream.indirect.gather @!p4 [hbm4b:s4+s6], $0x80, s7, s6, $0xb8;
	[tilespmem:$0x1F000] =	vst v63  }
0x75: {  	s6 =	simm.s32 $0x400;
	_ =	swait.ge @!p2 [sflag:s17], $0x2800  }
0x76: {  	s16 =	simm.s32 @!p2 $0x16100;
	s7 =	simm.s32 $0x5;
	[sflag:s17] =	ssyncset.done @!p2 $0x0  }
.LBB2_4:
0x77: {  	[sflag:s17] =	ssyncadd.s32 @!p2 $0xFFFFD800  }
0x78: {  	s24 =	sadd.s32 $0xA0, s24;
	s17 =	smov.u32 s6;
	s6 =	sadd.s32 $0x400, s6  }
0x79: {  	[spmem:s2] =	stream.indirect.scatter.add.f32 @!p2 [tilespmem:s5], [sflag:$0x3], $0x80, s16, s0, $0xb8;
	[tilespmem:$0x1F000] =	vst v63  }
0x7a: {  	p3 =	sne.s32 s6, $0xFC00;
	_ =	swait.ge [sflag:s25], $0x2800  }
0x7b: {  	p2 =	seq.s32 s17, $0xF800;
	[sflag:s25] =	ssyncset.done $0x0  }
0x7c: {  	s0 =	simm.s32 @!p2 $0x50;
	s5 =	simm.s32 @!p2 $0x1A000;
	[sflag:s25] =	ssyncadd.s32 $0xFFFFD800  }
0x7d: {  	[tilespmem:s5], [sflag:$0x1] =	stream.indirect.gather @!p2 [hbm4b:s4+s0], $0x80, s24, s0, $0xb8;
	[tilespmem:$0x1F000] =	vst v63  }
0x7e: {  	p4 =	sgt.u32 s7, $0x7E;
	s18 =	simm.s32 @!p2 $0x2;
	s16 =	sshra.s32 @!p2 s17, $0x2  }
0x7f: {  	s17 =	sadd.s32 @!p2 $0x16080, s16;
	s16 =	sadd.s32 @!p2 $0x16100, s16;
	_ =	swait.ge @!p2 [sflag:s18], $0x2800  }
0x80: {  	p5 =	sgt.u32 @!p4 s7, $0x7C;
	s19 =	simm.s32 @!p2 $0x1C800;
	[sflag:s18] =	ssyncset.done @!p2 $0x0  }
0x81: {  	p5 =	por p5, p4;
	[sflag:s18] =	ssyncadd.s32 @!p2 $0xFFFFD800;
	s18 =	simm.s32 @!p4 $0x4  }
0x82: {  	[spmem:s2] =	stream.indirect.scatter.add.f32 @!p2 [tilespmem:s19], [sflag:$0x4], $0x80, s17, s0, $0xb8;
	[tilespmem:$0x1F000] =	vst v63  }
0x83: {  	s20 =	simm.s32 @!p5 $0x1C800;
	_ =	swait.ge @!p4 [sflag:s18], $0x2800  }
.Ltmp1:
0x84: {  	s19 =	sadd.s32 @!p5 $0x50, s24;
	[sflag:s18] =	ssyncset.done @!p4 $0x0;
	(pc) =	sbr.rel @p3 .LBB2_4-.Ltmp1, $4  }
0x85: {  	s17 =	simm.s32 @!p2 $0x1;
	[sflag:s18] =	ssyncadd.s32 @!p4 $0xFFFFD800;
	s18 =	simm.s32 @!p5 $0x50  }
0x86: {  	[tilespmem:s20], [sflag:$0x2] =	stream.indirect.gather @!p5 [hbm4b:s4+s18], $0x80, s19, s18, $0xb8;
	[tilespmem:$0x1F000] =	vst v63  }
0x87: {  	_ =	swait.ge @!p2 [sflag:s17], $0x2800  }
0x88: {  	s7 =	sadd.s32 $0x2, s7;
	[sflag:s17] =	ssyncset.done @!p2 $0x0  }
0x89: {  	[sflag:s17] =	ssyncadd.s32 @!p2 $0xFFFFD800;
	s20 =	stileid.u32  }
0x8a: {  	[spmem:s2] =	stream.indirect.scatter.add.f32 @!p2 [tilespmem:s5], [sflag:$0x3], $0x80, s16, s0, $0xb8;
	[tilespmem:$0x1F000] =	vst v63  }
0x8b: {  	s0 =	sshll.u32 s20, $0x6;
	[bflag:$0x0] =	sbarrier.arrive $0xFFFF  }
0x8c: {  	s24 =	sshrl.u32 s8, $0x3;
	s0 =	sor.u32 $0x1C01, s0;
	s6 =	rddreg [dreg:$0x6]  }
0x8d: {  	[hbm:s6], [sflag:s0] =	dma.local [spmem:s24], $0x500  }
0x8e: {  	s7 =	sshrl.u32 s9, $0x3;
	s6 =	rddreg [dreg:$0x7]  }
0x8f: {  	[hbm:s6], [sflag:s0] =	dma.local [spmem:s7], $0x500  }
0x90: {  	s17 =	sshrl.u32 s11, $0x3;
	s16 =	sshrl.u32 s10, $0x3;
	s6 =	rddreg [dreg:$0x8]  }
0x91: {  	[hbm:s6], [sflag:s0] =	dma.local [spmem:s16], $0x500  }
0x92: {  	s18 =	sshrl.u32 s12, $0x3;
	s19 =	sshrl.u32 s13, $0x3;
	s6 =	rddreg [dreg:$0x9]  }
0x93: {  	[hbm:s6], [sflag:s0] =	dma.local [spmem:s17], $0x500  }
0x94: {  	s20 =	sshrl.u32 s14, $0x3;
	s5 =	sshrl.u32 @!p0 s15, $0x3;
	s6 =	rddreg [dreg:$0xa]  }
0x95: {  	[hbm:s6], [sflag:s0] =	dma.local [spmem:s18], $0x500  }
0x96: {  	[hbm:s21], [sflag:s0] =	dma.local [spmem:s19], $0x500  }
0x97: {  	[hbm:s22], [sflag:s0] =	dma.local [spmem:s20], $0x500  }
0x98: {  	[hbm:s23], [sflag:s0] =	dma.local @!p0 [spmem:s5], $0x500  }
0x99: {  	_ =	swait.ge [sflag:s31], $0x500  }
0x9a: {  	[sflag:s31] =	ssyncset.done $0x0  }
0x9b: {  	[sflag:s31] =	ssyncadd.s32 $0xFFFFFB00  }
0x9c: {  	_ =	swait.ge [sflag:s31], $0x500  }
0x9d: {  	[sflag:s31] =	ssyncset.done $0x0  }
0x9e: {  	[sflag:s31] =	ssyncadd.s32 $0xFFFFFB00  }
0x9f: {  	_ =	swait.ge [sflag:s31], $0x500  }
0xa0: {  	[sflag:s31] =	ssyncset.done $0x0  }
0xa1: {  	[sflag:s31] =	ssyncadd.s32 $0xFFFFFB00  }
0xa2: {  	_ =	swait.ge [sflag:s31], $0x500  }
0xa3: {  	[sflag:s31] =	ssyncset.done $0x0  }
0xa4: {  	[sflag:s31] =	ssyncadd.s32 $0xFFFFFB00  }
0xa5: {  	_ =	swait.ge [sflag:s31], $0x500  }
0xa6: {  	[sflag:s31] =	ssyncset.done $0x0  }
0xa7: {  	[sflag:s31] =	ssyncadd.s32 $0xFFFFFB00  }
0xa8: {  	_ =	swait.ge [sflag:s31], $0x500  }
0xa9: {  	[sflag:s31] =	ssyncset.done $0x0  }
0xaa: {  	[sflag:s31] =	ssyncadd.s32 $0xFFFFFB00  }
0xab: {  	_ =	swait.ge [sflag:s31], $0x500  }
0xac: {  	[sflag:s31] =	ssyncset.done $0x0  }
0xad: {  	s0 =	simm.s32 @!p1 $0x1;
	[sflag:s31] =	ssyncadd.s32 $0xFFFFFB00  }
0xae: {  	_ =	swait.ge @!p1 [sflag:s0], $0x500  }
0xaf: {  	s3 =	sadd.s32 $0x1, s3;
	s24 =	rddreg [dreg:$0x5]  }
0xb0: {  	p2 =	sne.s32 s3, s24  }
.Ltmp2:
0xb1: {  	_ = 	snop;
	(pc) =	sbr.rel @p2 .LBB2_1-.Ltmp2, $3  }
0xb2: {  	_ =	sdelay $0x1  }
0xb3: {  	[sflag:s0] =	ssyncset.done @!p1 $0x0  }
0xb4: {  	[sflag:s0] =	ssyncadd.s32 @!p1 $0xFFFFFB00  }
0xb5: {  	_ =	sfence.sel $0x180000  }
0xb6: {  	[bflag:$0x0] =	sbarrier.arrive $0xFFFF  }
0xb7: {  	_ =	strace $0x9000004A  }
0xb8: {  	s0 =	stileid.u32;
	[bflag:$0x2] =	sbarrier.arrive $0xFFFF  }
0xb9: {  	p0 =	sne.s32 s0, $0x0;
	s0 =	rddreg [dreg:$0x2]  }
0xba: {  	s0 =	sadd.s32 @!p0 $0x100000, s0  }
0xbb: {  	[sflag:s0] =	ssyncadd.tile.s32 @!p0 $0x1;
	_ =	shalt  }
.Lfunc_end2:
_tile_overlayer_lowered:
.L_overlay_start_2:
0xbc: {  	(tag) =	ssettag $0x2  }
0xbd: {  	s0 =	rddreg [dreg:$0x0];
	s2 =	stileid.u32  }
0xbe: {  	s1 =	rddreg [dreg:$0x1];
	p0 =	sne.s32 s2, $0x0  }
0xbf: {  	s3 =	rddreg [dreg:$0x2];
	[bflag:$0x3] =	sbarrier.arrive $0xFFFF;
	s2 =	simm.s32 @!p0 $0x1C05  }
0xc0: {  	[timem:s3], [sflag:s2] =	dma.local @!p0 [hbm:s0], s1  }
0xc1: {  	s0 =	simm.s32 @!p0 $0x5  }
0xc2: {  	_ =	swait.ge @!p0 [sflag:s0], s1  }
0xc3: {  	s1 =	ssub.s32 @!p0 $0x0, s1;
	[sflag:s0] =	ssyncset.done @!p0 $0x0  }
0xc4: {  	[sflag:s0] =	ssyncadd.s32 @!p0 s1  }
0xc5: {  	[bflag:$0x3] =	sbarrier.arrive $0xFFFF  }
0xc6: {  	_ =	shalt  }

// kernel: kernel.7.cloned.1.call-start
scs
__scs_entry_jumppad:
0x0: {  	(pc) =	sbr.rel $0x88, $3  }
0x1: {  	(tag) =	ssettag $0x0;
	lr =	simm.s32 $0x1  }
0x2: {  	[smem:$0x3F93] =	sst lr;
	_ =	strace $0xD0000000  }
0x3: {  	_ = 	snop  }
0x4: {  	_ = 	snop  }
0x5: {  	_ = 	snop  }
0x6: {  	_ = 	snop  }
0x7: {  	_ = 	snop  }
__scs_overlays_trampoline_lowered:
0x8: {  	[smem:$0x3FA2] =	sst s0  }
0x9: {  	[smem:$0x3FA3] =	sst s1  }
0xa: {  	[smem:$0x3FA4] =	sst s2  }
0xb: {  	[smem:$0x3FA5] =	sst s3  }
0xc: {  	[smem:$0x3FA6] =	sst s4  }
0xd: {  	[smem:$0x3FA7] =	sst s5  }
0xe: {  	[smem:$0x3FA8] =	sst s6  }
0xf: {  	[smem:$0x3FA9] =	sst s7  }
0x10: {  	[smem:$0x3FAA] =	sst s8  }
0x11: {  	[smem:$0x3FAB] =	sst s9;
	s0 =	simm.s32 @!p0 $0x0  }
0x12: {  	s1 =	sld [smem:$0x3F91];
	s0 =	simm.s32 @p0 $0x1  }
0x13: {  	[smem:$0x3FAC] =	sst s0;
	s0 =	simm.s32 @!p1 $0x0  }
0x14: {  	s2 =	sld [smem:$0x3F90];
	s0 =	simm.s32 @p1 $0x1  }
0x15: {  	[smem:$0x3FAD] =	sst s0;
	s0 =	simm.s32 @!p2 $0x0  }
0x16: {  	s3 =	sld [smem:$0x3FDB];
	s0 =	simm.s32 @p2 $0x1  }
0x17: {  	s4 =	simm.s32 $0x1BF5;
	[smem:$0x3FAF] =	sst s0  }
0x18: {  	s0 =	sld [smem:$0x3F92];
	_ =	swait.ge [sflag:s4], $0x0  }
0x19: {  	s7 =	sld [smem:$0x3F93]  }
0x1a: {  	s8 =	sadd.s32 $0xFFFFE003, lr  }
0x1b: {  	s9 =	sadd.s32 $0xFFFFFEF7, lr;
	s5 =	simm.s32 $0xFFFFFFFF;
	p2 =	slt.u32 s8, $0xFFFFF086  }
0x1c: {  	p1 =	slt.u32 s9, $0xF7A;
	s5 =	simm.s32 @!p2 $0x0  }
0x1d: {  	s5 =	simm.s32 @p1 $0x1;
	p0 =	seq.s32 s7, s2  }
0x1e: {  	s7 =	smul.u32 @!p0 $0xF7A, s2;
	p2 =	seq.s32 @!p0 s5, $0x0  }
0x1f: {  	s9 =	smul.u32 $0xF7A, s1;
	s8 =	simm.s32 @!p0 $0x1BF5;
	p2 =	por !p2, p0  }
0x20: {  	[sflag:s8] =	ssyncset.s32 @!p0 $0xFFFFF086;
	s6 =	sadd.s32 @!p0 s3, s7;
	s7 =	simm.s32 @!p0 $0x108  }
0x21: {  	s3 =	sadd.s32 s3, s9;
	s6 =	sadd.s32 @!p0 $0x88, s6;
	s7 =	simm.s32 @p2 $0x1082  }
0x22: {  	[simem:s7], [sflag:s8] =	dma.local @!p0 [hbm:s6], $0xF7A  }
0x23: {  	s9 =	sor.u32 $0xD0000000, s2;
	s6 =	simm.s32 $0x108;
	_ =	swait.ge @!p0 [sflag:s8], $0x0  }
0x24: {  	s3 =	sadd.s32 $0x88, s3;
	s6 =	simm.s32 @!p1 $0x1082;
	[sflag:s4] =	ssyncset.s32 $0xFFFFF086  }
0x25: {  	[simem:s6], [sflag:s4] =	dma.local [hbm:s3], $0xF7A  }
0x26: {  	[smem:$0x3F93] =	sst s1;
	(tag) =	ssettag s2;
	_ =	strace s9  }
0x27: {  	s1 =	sld [smem:$0x3FA3]  }
0x28: {  	s2 =	sld [smem:$0x3FA4]  }
0x29: {  	s4 =	sld [smem:$0x3FA6]  }
0x2a: {  	p0 =	seq.s32 s5, $0x0;
	s5 =	sld [smem:$0x3FA7]  }
0x2b: {  	s6 =	sld [smem:$0x3FA8]  }
0x2c: {  	s7 =	sld [smem:$0x3FA9]  }
0x2d: {  	s3 =	simm.s32 $0x108;
	s8 =	sld [smem:$0x3FAA]  }
0x2e: {  	s3 =	simm.s32 @!p0 $0x1082;
	s9 =	sld [smem:$0x3FAB]  }
0x2f: {  	lr =	sadd.s32 s0, s3;
	s0 =	sld [smem:$0x3FA2]  }
0x30: {  	s3 =	sld [smem:$0x3FA5]  }
0x31: {  	[smem:$0x3FAE] =	sst s10  }
0x32: {  	s10 =	sld [smem:$0x3FAC];
	_ =	sdelay $0x3  }
0x33: {  	p0 =	seq.s32 s10, $0x1;
	s10 =	sld [smem:$0x3FAE];
	_ =	sdelay $0x3  }
0x34: {  	[smem:$0x3FAE] =	sst s10  }
0x35: {  	s10 =	sld [smem:$0x3FAD];
	_ =	sdelay $0x3  }
0x36: {  	p1 =	seq.s32 s10, $0x1;
	s10 =	sld [smem:$0x3FAE];
	_ =	sdelay $0x3  }
0x37: {  	[smem:$0x3FAE] =	sst s10  }
0x38: {  	s10 =	sld [smem:$0x3FAF]  }
0x39: {  	_ = 	snop;
	(pc) =	sbr.ind lr, $3  }
0x3a: {  	_ = 	snop  }
0x3b: {  	_ = 	snop  }
0x3c: {  	p2 =	seq.s32 s10, $0x1;
	s10 =	sld [smem:$0x3FAE]  }
0x3d: {  	_ =	shalt  }
0x3e: {  	_ =	shalt  }
0x3f: {  	_ =	shalt  }
0x40: {  	_ =	shalt  }
0x41: {  	_ =	shalt  }
0x42: {  	_ =	shalt  }
0x43: {  	_ =	shalt  }
0x44: {  	_ =	shalt  }
0x45: {  	_ =	shalt  }
0x46: {  	_ =	shalt  }
0x47: {  	_ =	shalt  }
0x48: {  	_ =	shalt  }
0x49: {  	_ =	shalt  }
0x4a: {  	_ =	shalt  }
0x4b: {  	_ =	shalt  }
0x4c: {  	_ =	shalt  }
0x4d: {  	_ =	shalt  }
0x4e: {  	_ =	shalt  }
0x4f: {  	_ =	shalt  }
0x50: {  	_ =	shalt  }
0x51: {  	_ =	shalt  }
0x52: {  	_ =	shalt  }
0x53: {  	_ =	shalt  }
0x54: {  	_ =	shalt  }
0x55: {  	_ =	shalt  }
0x56: {  	_ =	shalt  }
0x57: {  	_ =	shalt  }
0x58: {  	_ =	shalt  }
0x59: {  	_ =	shalt  }
0x5a: {  	_ =	shalt  }
0x5b: {  	_ =	shalt  }
0x5c: {  	_ =	shalt  }
0x5d: {  	_ =	shalt  }
0x5e: {  	_ =	shalt  }
0x5f: {  	_ =	shalt  }
0x60: {  	_ =	shalt  }
0x61: {  	_ =	shalt  }
0x62: {  	_ =	shalt  }
0x63: {  	_ =	shalt  }
0x64: {  	_ =	shalt  }
0x65: {  	_ =	shalt  }
0x66: {  	_ =	shalt  }
0x67: {  	_ =	shalt  }
0x68: {  	_ =	shalt  }
0x69: {  	_ =	shalt  }
0x6a: {  	_ =	shalt  }
0x6b: {  	_ =	shalt  }
0x6c: {  	_ =	shalt  }
0x6d: {  	_ =	shalt  }
0x6e: {  	_ =	shalt  }
0x6f: {  	_ =	shalt  }
0x70: {  	_ =	shalt  }
0x71: {  	_ =	shalt  }
0x72: {  	_ =	shalt  }
0x73: {  	_ =	shalt  }
0x74: {  	_ =	shalt  }
0x75: {  	_ =	shalt  }
0x76: {  	_ =	shalt  }
0x77: {  	_ =	shalt  }
0x78: {  	_ =	shalt  }
0x79: {  	_ =	shalt  }
0x7a: {  	_ =	shalt  }
0x7b: {  	_ =	shalt  }
0x7c: {  	_ =	shalt  }
0x7d: {  	_ =	shalt  }
0x7e: {  	_ =	shalt  }
0x7f: {  	_ =	shalt  }
0x80: {  	_ =	shalt  }
0x81: {  	_ =	shalt  }
0x82: {  	_ =	shalt  }
0x83: {  	_ =	shalt  }
0x84: {  	_ =	shalt  }
0x85: {  	_ =	shalt  }
0x86: {  	_ =	shalt  }
0x87: {  	_ =	shalt  }
.Lfunc_end0:
.L_simem_size_0:
called_computation_lowered:
.L_overlay_start_0:
0x88: {  	s2 =	sld [smem:$0x3FD9]  }
0x89: {  	s3 =	sld [smem:$0x3FFE];
	_ =	sdelay $0x1  }
0x8a: {  	s1 =	srdreg.scid  }
0x8b: {  	s0 =	sand.u32 $0x1, s1  }
0x8c: {  	s16 =	sshll.u32 s0, $0xA;
	s2 =	sadd.s32 s3, s2  }
0x8d: {  	s2 =	sadd.s32 s2, s16  }
0x8e: {  	[smem:$0x3FBA] =	sst s2  }
0x8f: {  	_ = 	snop  }
0x90: {  	(tm) =	ssettm $0x1  }
0x91: {  	s17 =	sld [smem:$0x3FFB];
	_ =	sdelay $0x3  }
0x92: {  	_ =	strace s17  }
0x93: {  	s2 =	sld [smem:$0x3FFC];
	_ =	sdelay $0x3  }
0x94: {  	_ =	strace s2  }
0x95: {  	s2 =	sld [smem:$0x3FFD];
	_ =	sdelay $0x3  }
0x96: {  	_ =	strace s2  }
0x97: {  	_ =	strace $0x8FFFFFFF  }
0x98: {  	s18 =	sld [smem:$0x3FDB];
	_ =	sdelay $0x1  }
0x99: {  	s19 =	simm.s32 $_scs_section_size  }
0x9a: {  	s4 =	simm.s32 $_size__tile_overlayer_lowered;
	s5 =	simm.s32 $_tile_overlayer_lowered  }
0x9b: {  	s22 =	simm.s32 $0x1BFF;
	s21 =	sshll.u32 s5, $0x1;
	s2 =	sadd.s32 s19, s18  }
0x9c: {  	s6 =	simm.s32 $0x0;
	s20 =	sshll.u32 s4, $0x1;
	s4 =	sadd.s32 s21, s2  }
0x9d: {  	[timem:s6], [sflag:s22] =	dma.local [hbm:s4], s20  }
0x9e: {  	_ =	swait.ge [sflag:s22], s20  }
0x9f: {  	s3 =	ssub.s32 $0x0, s20;
	[sflag:s22] =	ssyncset.done $0x0  }
0xa0: {  	[sflag:s22] =	ssyncadd.s32 s3;
	_ =	sdelay $0x1  }
0xa1: {  	s23 =	simm.s32 $0x1B8B  }
0xa2: {  	_ =	swait.ge [sflag:s23], $0x1  }
0xa3: {  	[sflag:s23] =	ssyncset.done $0x0  }
0xa4: {  	s25 =	simm.s32 $0x1B8E;
	s24 =	sld [smem:$0x3FFE];
	[sflag:s23] =	ssyncadd.s32 $0xFFFFFFFF  }
0xa5: {  	s26 =	simm.s32 $execute0_lowered;
	[smem:$0x3FD2] =	sst s25  }
0xa6: {  	s4 =	sshll.u32 s26, $0x1;
	_ =	strace $0x80000046;
	[dreg:$0x1] =	wrdreg $0xFFFFFFFF  }
0xa7: {  	s28 =	simm.s32 $_size_execute0_lowered;
	s2 =	sadd.s32 s2, s4;
	[dreg:$0x0] =	wrdreg $0x0  }
0xa8: {  	s4 =	sshll.u32 s28, $0x1;
	[dreg:$0x2] =	wrdreg s2  }
0xa9: {  	[dreg:$0x3] =	wrdreg s4  }
0xaa: {  	[dreg:$0x4] =	wrdreg $0xC0  }
0xab: {  	_ =	task [dreg:s6], $0x5FFFF  }
0xac: {  	[dreg:$0x1] =	wrdreg $0xFFFFFFFF  }
0xad: {  	[dreg:$0x0] =	wrdreg $0x60  }
0xae: {  	[dreg:$0x2] =	wrdreg s24  }
0xaf: {  	[dreg:$0x3] =	wrdreg $0x0  }
0xb0: {  	[dreg:$0x4] =	wrdreg $0x9  }
0xb1: {  	_ =	task.clear_ibuf [dreg:s6], $0x5FFFF;
	_ =	strace $0x90000046  }
0xb2: {  	s29 =	simm.s32 $0x9;
	_ =	strace $0x80000048  }
0xb3: {  	_ =	swait.ge [sflag:s29], $0x1  }
0xb4: {  	[sflag:s29] =	ssyncadd.s32 $0xFFFFFFFF  }
0xb5: {  	_ =	strace $0x90000048  }
0xb6: {  	_ =	sfence  }
0xb7: {  	s30 =	sld [smem:$0x0];
	_ =	sdelay $0x2  }
0xb8: {  	s31 =	sshll.u32 s1, $0xD;
	s1 =	sshrl.u32 s1, $0x2  }
0xb9: {  	s3 =	sand.u32 $0x4000, s31;
	s1 =	sadd.s32 s1, s30  }
0xba: {  	s0 =	sor.u32 s3, s0;
	s1 =	sshll.u32 s1, $0x11  }
0xbb: {  	s0 =	sor.u32 s1, s0  }
0xbc: {  	s0 =	sadd.s32 $0x8F2B, s0  }
0xbd: {  	[sflag:s0] =	ssyncadd.remote.s32 $0x1  }
0xbe: {  	_ =	sfence.sel $0xFFFF  }
0xbf: {  	[dreg:$0x0] =	wrdreg $0xFFFFFFFF;
	(pc) =	sbr.abs _section_cstart, $3  }
0xc0: {  	[dreg:$0x1] =	wrdreg $0xFFFFFFFF  }
0xc1: {  	_ =	task.clear_ibuf [dreg:s6], $0x2FFFF;
	_ =	strace $0x9FFFFFFF  }
0xc2: {  	(tm) =	ssettm $0x7FFFFFFF  }
0xc3: {  	_ =	shalt  }
tec
execute0_lowered:
.L_overlay_start_1:
0x0: {  	(tag) =	ssettag $0x1  }
0x1: {  	s0 =	srdreg.scid;
	s1 =	rddreg [dreg:$0x0]  }
0x2: {  	s25 =	stileid.u32;
	s2 =	rddreg [dreg:$0x1]  }
0x3: {  	s6 =	simm.s32 $0x0;
	s0 =	sand.u32 $0x1, s0;
	s21 =	smul.u32 $0xA000, s25  }
0x4: {  	s28 =	simm.s32 $0x5;
	s4 =	sshrl.u32 s25, $0x3;
	s3 =	smul.u32 $0x27800, s0  }
0x5: {  	s29 =	simm.s32 $0x16000;
	s30 =	simm.s32 $0x1A000;
	s4 =	smul.u32 $0x13C00, s4  }
0x6: {  	s31 =	simm.s32 $0x1;
	s7 =	sor.u32 $0x10, s25;
	s18 =	smul.u32 $0x27100, s0  }
0x7: {  	s5 =	sshll.u32 s25, $0x7;
	s12 =	sor.u32 $0x20, s25;
	s22 =	smul.u32 $0xA000, s7  }
0x8: {  	[smem:$0x7FF] =	sst s6;
	s14 =	sor.u32 $0x30, s25;
	s23 =	smul.u32 $0xA000, s12  }
0x9: {  	s19 =	sshll.u32 s25, $0xB;
	s15 =	sor.u32 $0x40, s25;
	s10 =	smul.u32 $0xA000, s14  }
0xa: {  	s16 =	sor.u32 $0x50, s25;
	s24 =	sor.u32 $0x70, s25;
	s26 =	smul.u32 $0xA000, s15  }
0xb: {  	p1 =	sgt.u32 s25, $0xC;
	s17 =	sand.u32 $0x380, s5;
	s13 =	smul.u32 $0xA000, s16  }
0xc: {  	_ =	strace $0x80000047;
	s6 =	sadd.s32 s19, s1;
	s19 =	smul.u32 $0x500, s25  }
0xd: {  	s0 =	ssub.s32 $0x2, s0;
	s16 =	smul.u32 $0x500, s16;
	p0 =	sgt.u32 s24, $0x7C  }
0xe: {  	s20 =	sshrl.u32 s0, $0x1;
	s6 =	sadd.s32 $0x2400, s6;
	s5 =	sshrl.u32 s21, $0x2  }
0xf: {  	s21 =	smul.u32 $0x500, s7;
	s3 =	sadd.s32 s3, s4;
	s4 =	sadd.s32 $0x62400, s1  }
0x10: {  	s0 =	ssub.s32 s0, s20;
	[dreg:$0x4] =	wrdreg s6;
	s8 =	sadd.s32 s5, s2  }
0x11: {  	s11 =	sshrl.u32 s23, $0x2;
	s20 =	sshrl.u32 s10, $0x2;
	s23 =	smul.u32 $0x500, s12  }
0x12: {  	s3 =	sor.u32 s17, s3;
	s0 =	smax.u32 s0, $0x1;
	s17 =	sor.u32 $0x60, s25  }
0x13: {  	s10 =	sadd.s32 s11, s2;
	s11 =	sadd.s32 s20, s2;
	s20 =	smul.u32 $0x500, s15  }
0x14: {  	s25 =	simm.s32 $0x3;
	s3 =	sshrl.u32 s3, $0x3;
	[dreg:$0x5] =	wrdreg s0  }
0x15: {  	s0 =	sshrl.u32 s26, $0x2;
	s26 =	smul.u32 $0x500, s14;
	s3 =	sadd.s32 s3, s1  }
0x16: {  	s1 =	sadd.s32 s18, s1;
	s18 =	smul.u32 $0xA000, s17;
	s3 =	sadd.s32 $0xA400, s3  }
0x17: {  	s12 =	sadd.s32 s0, s2;
	s1 =	sadd.s32 $0xB0600, s1;
	[dreg:$0x3] =	wrdreg s3  }
0x18: {  	s3 =	sshrl.u32 s22, $0x2;
	s22 =	sshrl.u32 s13, $0x2;
	s14 =	sshrl.u32 s18, $0x2  }
0x19: {  	s18 =	sadd.s32 s1, s19;
	s5 =	sadd.s32 s1, s21;
	s19 =	smul.u32 $0x500, s17  }
0x1a: {  	s0 =	sadd.s32 s1, s26;
	s26 =	sadd.s32 s1, s20;
	[dreg:$0x6] =	wrdreg s18  }
0x1b: {  	s21 =	sadd.s32 s1, s16;
	s9 =	sadd.s32 s3, s2;
	[dreg:$0x7] =	wrdreg s5  }
0x1c: {  	s3 =	smul.u32 $0xA000, s24;
	s13 =	sadd.s32 s22, s2;
	[dreg:$0x9] =	wrdreg s0  }
0x1d: {  	s22 =	sadd.s32 s1, s23;
	s23 =	smul.u32 $0x500, s24;
	[dreg:$0xa] =	wrdreg s26  }
0x1e: {  	s14 =	sadd.s32 s14, s2;
	s26 =	simm.s32 $0x13880;
	[dreg:$0x8] =	wrdreg s22  }
0x1f: {  	s22 =	sadd.s32 s1, s19;
	s3 =	sshrl.u32 s3, $0x2;
	s23 =	sadd.s32 s1, s23  }
0x20: {  	v0 =	vimm.f32 $0.0e+00;
	s1 =	simm.s32 $0x50;
	s15 =	sadd.s32 s3, s2;
	s3 =	simm.s32 $0x0  }
.LBB2_1:
0x21: {  	s0 =	rddreg [dreg:$0x3];
	s5 =	simm.s32 $0x80;
	s6 =	simm.s32 $0x400  }
0x22: {  	[tilespmem:s26], [sflag:$0x5] =	stream.strided.gather [hbm4b:s0+s5], $0x2780, s6, s5, $0x38;
	[tilespmem:$0x1F000] =	vst v63  }
0x23: {  	_ =	swait.ge [sflag:s28], $0x2780  }
0x24: {  	[sflag:s28] =	ssyncset.done $0x0  }
0x25: {  	s20 =	simm.s32 $0x0;
	s24 =	rddreg [dreg:$0x4];
	[sflag:s28] =	ssyncadd.s32 $0xFFFFD880  }
0x26: {  	[tilespmem:s29], [sflag:$0x5] =	stream.linear.gather [hbm4b:s24+s20], $0x3E80, $0x38;
	[tilespmem:$0x1F000] =	vst v63  }
0x27: {  	_ =	swait.ge [sflag:s28], $0x3E80  }
0x28: {  	[sflag:s28] =	ssyncset.done $0x0  }
0x29: {  	s0 =	simm.s32 $0x0;
	s5 =	simm.s32 $0x200;
	[sflag:s28] =	ssyncadd.s32 $0xFFFFC180  }
.LBB2_2:
0x2a: {  	p2 =	sne.s32 s5, $0x9E00;
	[tilespmem:s0+$0x1A070] =	vst v0  }
0x2b: {  	[tilespmem:s0+$0x1A000] =	vst v0  }
0x2c: {  	[tilespmem:s0+$0x1A010] =	vst v0  }
.Ltmp0:
0x2d: {  	[tilespmem:s0+$0x1A020] =	vst v0;
	(pc) =	sbr.rel @p2 .LBB2_2-.Ltmp0, $4  }
0x2e: {  	[tilespmem:s0+$0x1A030] =	vst v0  }
0x2f: {  	[tilespmem:s0+$0x1A040] =	vst v0  }
0x30: {  	[tilespmem:s0+$0x1A050] =	vst v0  }
0x31: {  	[tilespmem:s0+$0x1A060] =	vst v0;
	s0 =	sshra.s32 s5, $0x2;
	s5 =	sadd.s32 $0x200, s5  }
0x32: {  	[tilespmem:s0+$0x1A070] =	vst v0  }
0x33: {  	[tilespmem:s0+$0x1A000] =	vst v0  }
0x34: {  	[tilespmem:s0+$0x1A010] =	vst v0  }
0x35: {  	[tilespmem:s0+$0x1A020] =	vst v0  }
0x36: {  	[tilespmem:s0+$0x1A030] =	vst v0  }
0x37: {  	[tilespmem:s0+$0x1A040] =	vst v0  }
0x38: {  	[tilespmem:s0+$0x1A050] =	vst v0  }
0x39: {  	[tilespmem:s0+$0x1A060] =	vst v0  }
0x3a: {  	[spmem:s8] =	stream.linear.scatter [tilespmem:s30], [sflag:$0x1], $0x2800, $0x38;
	[tilespmem:$0x1F000] =	vst v63  }
0x3b: {  	_ = 	snop  }
0x3c: {  	[spmem:s9] =	stream.linear.scatter [tilespmem:s30], [sflag:$0x1], $0x2800, $0x38;
	[tilespmem:$0x1F000] =	vst v63  }
0x3d: {  	_ = 	snop  }
0x3e: {  	[spmem:s10] =	stream.linear.scatter [tilespmem:s30], [sflag:$0x1], $0x2800, $0x38;
	[tilespmem:$0x1F000] =	vst v63  }
0x3f: {  	_ = 	snop  }
0x40: {  	[spmem:s11] =	stream.linear.scatter [tilespmem:s30], [sflag:$0x1], $0x2800, $0x38;
	[tilespmem:$0x1F000] =	vst v63  }
0x41: {  	_ = 	snop  }
0x42: {  	[spmem:s12] =	stream.linear.scatter [tilespmem:s30], [sflag:$0x1], $0x2800, $0x38;
	[tilespmem:$0x1F000] =	vst v63  }
0x43: {  	_ = 	snop  }
0x44: {  	[spmem:s13] =	stream.linear.scatter [tilespmem:s30], [sflag:$0x1], $0x2800, $0x38;
	[tilespmem:$0x1F000] =	vst v63  }
0x45: {  	_ = 	snop  }
0x46: {  	[spmem:s14] =	stream.linear.scatter [tilespmem:s30], [sflag:$0x1], $0x2800, $0x38;
	[tilespmem:$0x1F000] =	vst v63  }
0x47: {  	s0 =	simm.s32 @!p0 $0x1A000  }
0x48: {  	[spmem:s15] =	stream.linear.scatter @!p0 [tilespmem:s0], [sflag:$0x1], $0x2800, $0x38;
	[tilespmem:$0x1F000] =	vst v63  }
0x49: {  	_ =	swait.ge [sflag:s31], $0x2800  }
0x4a: {  	[sflag:s31] =	ssyncset.done $0x0  }
0x4b: {  	[sflag:s31] =	ssyncadd.s32 $0xFFFFD800  }
0x4c: {  	_ =	swait.ge [sflag:s31], $0x2800  }
0x4d: {  	[sflag:s31] =	ssyncset.done $0x0  }
0x4e: {  	[sflag:s31] =	ssyncadd.s32 $0xFFFFD800  }
0x4f: {  	_ =	swait.ge [sflag:s31], $0x2800  }
0x50: {  	[sflag:s31] =	ssyncset.done $0x0  }
0x51: {  	[sflag:s31] =	ssyncadd.s32 $0xFFFFD800  }
0x52: {  	_ =	swait.ge [sflag:s31], $0x2800  }
0x53: {  	[sflag:s31] =	ssyncset.done $0x0  }
0x54: {  	[sflag:s31] =	ssyncadd.s32 $0xFFFFD800  }
0x55: {  	_ =	swait.ge [sflag:s31], $0x2800  }
0x56: {  	[sflag:s31] =	ssyncset.done $0x0  }
0x57: {  	[sflag:s31] =	ssyncadd.s32 $0xFFFFD800  }
0x58: {  	_ =	swait.ge [sflag:s31], $0x2800  }
0x59: {  	[sflag:s31] =	ssyncset.done $0x0  }
0x5a: {  	[sflag:s31] =	ssyncadd.s32 $0xFFFFD800  }
0x5b: {  	_ =	swait.ge [sflag:s31], $0x2800  }
0x5c: {  	[sflag:s31] =	ssyncset.done $0x0  }
0x5d: {  	s0 =	simm.s32 @!p1 $0x1;
	[sflag:s31] =	ssyncadd.s32 $0xFFFFD800  }
0x5e: {  	_ =	swait.ge @!p1 [sflag:s0], $0x2800  }
0x5f: {  	[sflag:s0] =	ssyncset.done @!p1 $0x0  }
0x60: {  	[sflag:s0] =	ssyncadd.s32 @!p1 $0xFFFFD800  }
0x61: {  	[bflag:$0x0] =	sbarrier.arrive $0xFFFF  }
0x62: {  	[tilespmem:s30], [sflag:$0x1] =	stream.indirect.gather [hbm4b:s4+s1], $0x80, s26, s1, $0xb8;
	[tilespmem:$0x1F000] =	vst v63  }
0x63: {  	s24 =	simm.s32 $0x138D0;
	s5 =	simm.s32 $0x1C800  }
0x64: {  	[tilespmem:s5], [sflag:$0x2] =	stream.indirect.gather [hbm4b:s4+s1], $0x80, s24, s1, $0xb8;
	[tilespmem:$0x1F000] =	vst v63  }
0x65: {  	_ =	swait.ge [sflag:s31], $0x2800  }
0x66: {  	[sflag:s31] =	ssyncset.done $0x0  }
0x67: {  	[sflag:s31] =	ssyncadd.s32 $0xFFFFD800  }
0x68: {  	[spmem:s2] =	stream.indirect.scatter.add.f32 [tilespmem:s30], [sflag:$0x3], $0x80, s29, s1, $0xb8;
	[tilespmem:$0x1F000] =	vst v63  }
0x69: {  	p2 =	por $0x0, $0x0;
	_ =	swait.ge [sflag:s25], $0x2800  }
0x6a: {  	s6 =	simm.s32 @!p2 $0x2;
	s0 =	simm.s32 @!p2 $0x50;
	[sflag:s25] =	ssyncset.done $0x0  }
0x6b: {  	s24 =	simm.s32 $0x13920;
	s5 =	simm.s32 @!p2 $0x1A000;
	[sflag:s25] =	ssyncadd.s32 $0xFFFFD800  }
0x6c: {  	[tilespmem:s5], [sflag:$0x1] =	stream.indirect.gather @!p2 [hbm4b:s4+s0], $0x80, s24, s0, $0xb8;
	[tilespmem:$0x1F000] =	vst v63  }
0x6d: {  	p3 =	por $0x0, $0x0;
	_ =	swait.ge @!p2 [sflag:s6], $0x2800  }
0x6e: {  	s7 =	simm.s32 @!p2 $0x16080;
	s16 =	simm.s32 @!p2 $0x1C800;
	[sflag:s6] =	ssyncset.done @!p2 $0x0  }
0x6f: {  	p4 =	por @!p3 $0x0, $0x0;
	[sflag:s6] =	ssyncadd.s32 @!p2 $0xFFFFD800;
	s6 =	simm.s32 @!p3 $0x4  }
0x70: {  	[spmem:s2] =	stream.indirect.scatter.add.f32 @!p2 [tilespmem:s16], [sflag:$0x4], $0x80, s7, s0, $0xb8;
	[tilespmem:$0x1F000] =	vst v63  }
0x71: {  	p4 =	por p4, p3;
	_ =	swait.ge @!p3 [sflag:s6], $0x2800  }
0x72: {  	s17 =	simm.s32 @!p2 $0x1;
	s7 =	simm.s32 @!p4 $0x13970;
	[sflag:s6] =	ssyncset.done @!p3 $0x0  }
0x73: {  	s16 =	simm.s32 @!p4 $0x1C800;
	[sflag:s6] =	ssyncadd.s32 @!p3 $0xFFFFD800;
	s6 =	simm.s32 @!p4 $0x50  }
0x74: {  	[tilespmem:s16], [sflag:$0x2] =	stream.indirect.gather @!p4 [hbm4b:s4+s6], $0x80, s7, s6, $0xb8;
	[tilespmem:$0x1F000] =	vst v63  }
0x75: {  	s6 =	simm.s32 $0x400;
	_ =	swait.ge @!p2 [sflag:s17], $0x2800  }
0x76: {  	s16 =	simm.s32 @!p2 $0x16100;
	s7 =	simm.s32 $0x5;
	[sflag:s17] =	ssyncset.done @!p2 $0x0  }
.LBB2_4:
0x77: {  	[sflag:s17] =	ssyncadd.s32 @!p2 $0xFFFFD800  }
0x78: {  	s24 =	sadd.s32 $0xA0, s24;
	s17 =	smov.u32 s6;
	s6 =	sadd.s32 $0x400, s6  }
0x79: {  	[spmem:s2] =	stream.indirect.scatter.add.f32 @!p2 [tilespmem:s5], [sflag:$0x3], $0x80, s16, s0, $0xb8;
	[tilespmem:$0x1F000] =	vst v63  }
0x7a: {  	p3 =	sne.s32 s6, $0xFC00;
	_ =	swait.ge [sflag:s25], $0x2800  }
0x7b: {  	p2 =	seq.s32 s17, $0xF800;
	[sflag:s25] =	ssyncset.done $0x0  }
0x7c: {  	s0 =	simm.s32 @!p2 $0x50;
	s5 =	simm.s32 @!p2 $0x1A000;
	[sflag:s25] =	ssyncadd.s32 $0xFFFFD800  }
0x7d: {  	[tilespmem:s5], [sflag:$0x1] =	stream.indirect.gather @!p2 [hbm4b:s4+s0], $0x80, s24, s0, $0xb8;
	[tilespmem:$0x1F000] =	vst v63  }
0x7e: {  	p4 =	sgt.u32 s7, $0x7E;
	s18 =	simm.s32 @!p2 $0x2;
	s16 =	sshra.s32 @!p2 s17, $0x2  }
0x7f: {  	s17 =	sadd.s32 @!p2 $0x16080, s16;
	s16 =	sadd.s32 @!p2 $0x16100, s16;
	_ =	swait.ge @!p2 [sflag:s18], $0x2800  }
0x80: {  	p5 =	sgt.u32 @!p4 s7, $0x7C;
	s19 =	simm.s32 @!p2 $0x1C800;
	[sflag:s18] =	ssyncset.done @!p2 $0x0  }
0x81: {  	p5 =	por p5, p4;
	[sflag:s18] =	ssyncadd.s32 @!p2 $0xFFFFD800;
	s18 =	simm.s32 @!p4 $0x4  }
0x82: {  	[spmem:s2] =	stream.indirect.scatter.add.f32 @!p2 [tilespmem:s19], [sflag:$0x4], $0x80, s17, s0, $0xb8;
	[tilespmem:$0x1F000] =	vst v63  }
0x83: {  	s20 =	simm.s32 @!p5 $0x1C800;
	_ =	swait.ge @!p4 [sflag:s18], $0x2800  }
.Ltmp1:
0x84: {  	s19 =	sadd.s32 @!p5 $0x50, s24;
	[sflag:s18] =	ssyncset.done @!p4 $0x0;
	(pc) =	sbr.rel @p3 .LBB2_4-.Ltmp1, $4  }
0x85: {  	s17 =	simm.s32 @!p2 $0x1;
	[sflag:s18] =	ssyncadd.s32 @!p4 $0xFFFFD800;
	s18 =	simm.s32 @!p5 $0x50  }
0x86: {  	[tilespmem:s20], [sflag:$0x2] =	stream.indirect.gather @!p5 [hbm4b:s4+s18], $0x80, s19, s18, $0xb8;
	[tilespmem:$0x1F000] =	vst v63  }
0x87: {  	_ =	swait.ge @!p2 [sflag:s17], $0x2800  }
0x88: {  	s7 =	sadd.s32 $0x2, s7;
	[sflag:s17] =	ssyncset.done @!p2 $0x0  }
0x89: {  	[sflag:s17] =	ssyncadd.s32 @!p2 $0xFFFFD800;
	s20 =	stileid.u32  }
0x8a: {  	[spmem:s2] =	stream.indirect.scatter.add.f32 @!p2 [tilespmem:s5], [sflag:$0x3], $0x80, s16, s0, $0xb8;
	[tilespmem:$0x1F000] =	vst v63  }
0x8b: {  	s0 =	sshll.u32 s20, $0x6;
	[bflag:$0x0] =	sbarrier.arrive $0xFFFF  }
0x8c: {  	s24 =	sshrl.u32 s8, $0x3;
	s0 =	sor.u32 $0x1C01, s0;
	s6 =	rddreg [dreg:$0x6]  }
0x8d: {  	[hbm:s6], [sflag:s0] =	dma.local [spmem:s24], $0x500  }
0x8e: {  	s7 =	sshrl.u32 s9, $0x3;
	s6 =	rddreg [dreg:$0x7]  }
0x8f: {  	[hbm:s6], [sflag:s0] =	dma.local [spmem:s7], $0x500  }
0x90: {  	s17 =	sshrl.u32 s11, $0x3;
	s16 =	sshrl.u32 s10, $0x3;
	s6 =	rddreg [dreg:$0x8]  }
0x91: {  	[hbm:s6], [sflag:s0] =	dma.local [spmem:s16], $0x500  }
0x92: {  	s18 =	sshrl.u32 s12, $0x3;
	s19 =	sshrl.u32 s13, $0x3;
	s6 =	rddreg [dreg:$0x9]  }
0x93: {  	[hbm:s6], [sflag:s0] =	dma.local [spmem:s17], $0x500  }
0x94: {  	s20 =	sshrl.u32 s14, $0x3;
	s5 =	sshrl.u32 @!p0 s15, $0x3;
	s6 =	rddreg [dreg:$0xa]  }
0x95: {  	[hbm:s6], [sflag:s0] =	dma.local [spmem:s18], $0x500  }
0x96: {  	[hbm:s21], [sflag:s0] =	dma.local [spmem:s19], $0x500  }
0x97: {  	[hbm:s22], [sflag:s0] =	dma.local [spmem:s20], $0x500  }
0x98: {  	[hbm:s23], [sflag:s0] =	dma.local @!p0 [spmem:s5], $0x500  }
0x99: {  	_ =	swait.ge [sflag:s31], $0x500  }
0x9a: {  	[sflag:s31] =	ssyncset.done $0x0  }
0x9b: {  	[sflag:s31] =	ssyncadd.s32 $0xFFFFFB00  }
0x9c: {  	_ =	swait.ge [sflag:s31], $0x500  }
0x9d: {  	[sflag:s31] =	ssyncset.done $0x0  }
0x9e: {  	[sflag:s31] =	ssyncadd.s32 $0xFFFFFB00  }
0x9f: {  	_ =	swait.ge [sflag:s31], $0x500  }
0xa0: {  	[sflag:s31] =	ssyncset.done $0x0  }
0xa1: {  	[sflag:s31] =	ssyncadd.s32 $0xFFFFFB00  }
0xa2: {  	_ =	swait.ge [sflag:s31], $0x500  }
0xa3: {  	[sflag:s31] =	ssyncset.done $0x0  }
0xa4: {  	[sflag:s31] =	ssyncadd.s32 $0xFFFFFB00  }
0xa5: {  	_ =	swait.ge [sflag:s31], $0x500  }
0xa6: {  	[sflag:s31] =	ssyncset.done $0x0  }
0xa7: {  	[sflag:s31] =	ssyncadd.s32 $0xFFFFFB00  }
0xa8: {  	_ =	swait.ge [sflag:s31], $0x500  }
0xa9: {  	[sflag:s31] =	ssyncset.done $0x0  }
0xaa: {  	[sflag:s31] =	ssyncadd.s32 $0xFFFFFB00  }
0xab: {  	_ =	swait.ge [sflag:s31], $0x500  }
0xac: {  	[sflag:s31] =	ssyncset.done $0x0  }
0xad: {  	s0 =	simm.s32 @!p1 $0x1;
	[sflag:s31] =	ssyncadd.s32 $0xFFFFFB00  }
0xae: {  	_ =	swait.ge @!p1 [sflag:s0], $0x500  }
0xaf: {  	s3 =	sadd.s32 $0x1, s3;
	s24 =	rddreg [dreg:$0x5]  }
0xb0: {  	p2 =	sne.s32 s3, s24  }
.Ltmp2:
0xb1: {  	_ = 	snop;
	(pc) =	sbr.rel @p2 .LBB2_1-.Ltmp2, $3  }
0xb2: {  	_ =	sdelay $0x1  }
0xb3: {  	[sflag:s0] =	ssyncset.done @!p1 $0x0  }
0xb4: {  	[sflag:s0] =	ssyncadd.s32 @!p1 $0xFFFFFB00  }
0xb5: {  	_ =	sfence.sel $0x180000  }
0xb6: {  	[bflag:$0x0] =	sbarrier.arrive $0xFFFF  }
0xb7: {  	_ =	strace $0x90000047  }
0xb8: {  	s0 =	stileid.u32;
	[bflag:$0x2] =	sbarrier.arrive $0xFFFF  }
0xb9: {  	p0 =	sne.s32 s0, $0x0;
	s0 =	rddreg [dreg:$0x2]  }
0xba: {  	s0 =	sadd.s32 @!p0 $0x100000, s0  }
0xbb: {  	[sflag:s0] =	ssyncadd.tile.s32 @!p0 $0x1;
	_ =	shalt  }
.Lfunc_end2:
_tile_overlayer_lowered:
.L_overlay_start_2:
0xbc: {  	(tag) =	ssettag $0x2  }
0xbd: {  	s0 =	rddreg [dreg:$0x0];
	s2 =	stileid.u32  }
0xbe: {  	s1 =	rddreg [dreg:$0x1];
	p0 =	sne.s32 s2, $0x0  }
0xbf: {  	s3 =	rddreg [dreg:$0x2];
	[bflag:$0x3] =	sbarrier.arrive $0xFFFF;
	s2 =	simm.s32 @!p0 $0x1C05  }
0xc0: {  	[timem:s3], [sflag:s2] =	dma.local @!p0 [hbm:s0], s1  }
0xc1: {  	s0 =	simm.s32 @!p0 $0x5  }
0xc2: {  	_ =	swait.ge @!p0 [sflag:s0], s1  }
0xc3: {  	s1 =	ssub.s32 @!p0 $0x0, s1;
	[sflag:s0] =	ssyncset.done @!p0 $0x0  }
0xc4: {  	[sflag:s0] =	ssyncadd.s32 @!p0 s1  }
0xc5: {  	[bflag:$0x3] =	sbarrier.arrive $0xFFFF  }
0xc6: {  	_ =	shalt  }

</sc_bundles>
